<compile_context>
chip_gen: v7x
topology: tpu7x:2x2x1
jax: 0.10.2.dev20260603
libtpu: 0.0.44.dev20260713+nightly
codegen_flags: <defaults>
</compile_context>

<pallas_src>
import functools
import math

import jax
import jax.numpy as jnp
from jax import lax
from jax.experimental import pallas as pl
from jax.experimental.pallas import tpu as pltpu
from jax.experimental.pallas import tpu_sc as plsc

_TOPK = 8


def _sc_gather(table, idx_flat):
    n = idx_flat.shape[0]
    d = table.shape[1]
    info = plsc.get_sparse_core_info()
    nc, ns = info.num_cores, info.num_subcores
    nw = nc * ns
    ch = 128
    nb = n // nw
    nch = nb // ch
    mesh = plsc.VectorSubcoreMesh(core_axis_name="c", subcore_axis_name="s")

    @functools.partial(
        pl.kernel,
        mesh=mesh,
        out_type=jax.ShapeDtypeStruct((n, d), jnp.float32),
        scratch_types=[
            pltpu.VMEM((ch,), jnp.int32),
            pltpu.VMEM((ch, d), jnp.float32),
            pltpu.SemaphoreType.DMA,
        ],
    )
    def gk(idx_hbm, tab_hbm, out_hbm, idx_v, rows_v, sem):
        wid = lax.axis_index("s") * nc + lax.axis_index("c")
        base = wid * nb
        for c in range(nch):
            off = base + c * ch
            pltpu.sync_copy(idx_hbm.at[pl.ds(off, ch)], idx_v)
            pltpu.async_copy(tab_hbm.at[idx_v], rows_v, sem).wait()
            pltpu.sync_copy(rows_v, out_hbm.at[pl.ds(off, ch)])

    return gk(idx_flat, table)


def _topk_body(v_ref, idx_ref, c_ref, *, tf, k, inv_t, nyq):
    v = v_ref[0]
    sq = v * v
    n_lanes = sq.shape[1]
    pairsum = sq + pltpu.roll(sq, n_lanes - 1, 1)
    iota_t = jax.lax.broadcasted_iota(jnp.int32, pairsum.shape, 0)
    lane1 = jax.lax.broadcasted_iota(jnp.int32, (1, n_lanes), 1)
    is_odd = (lane1 & 1) == 1
    big = jnp.int32(tf + 1)
    nyq = jnp.int32(nyq)
    work = pairsum
    for j in range(k):
        m = jnp.max(work, axis=0, keepdims=True)
        hit = work == m
        sel_idx = jnp.min(jnp.where(hit, iota_t, big), axis=0,
                          keepdims=True)
        rolled = pltpu.roll(sel_idx, 1, 1)
        pair_idx = jnp.where(is_odd, rolled, sel_idx)
        selbit = iota_t == pair_idx
        coef = jnp.sum(jnp.where(selbit, v, 0.0), axis=0,
                       keepdims=True)
        w = jnp.where((pair_idx == 0) | (pair_idx == nyq),
                      jnp.float32(inv_t), jnp.float32(2.0 * inv_t))
        idx_ref[0, pl.ds(j, 1), :] = pair_idx
        c_ref[0, pl.ds(j, 1), :] = coef * w
        work = jnp.where(selbit, jnp.float32(-1.0), work)


def _topk_compact(v, k, t):
    b, tf, f2 = v.shape
    nyq = tf - 1 if t % 2 == 0 else -1
    body = functools.partial(_topk_body, tf=tf, k=k, inv_t=1.0 / t, nyq=nyq)
    return pl.pallas_call(
        body,
        grid=(b,),
        in_specs=[pl.BlockSpec((1, tf, f2), lambda i: (i, 0, 0))],
        out_specs=[pl.BlockSpec((1, k, f2), lambda i: (i, 0, 0))] * 2,
        out_shape=[
            jax.ShapeDtypeStruct((b, k, f2), jnp.int32),
            jax.ShapeDtypeStruct((b, k, f2), jnp.float32),
        ],
    )(v)


def kernel(x):
    b, t, f = x.shape
    xf = jnp.fft.rfft(x, axis=1)
    tf = xf.shape[1]
    k = min(_TOPK, tf)
    v = jnp.stack([jnp.real(xf), jnp.imag(xf)], axis=-1).reshape(b, tf, 2 * f)
    idx2, c2 = _topk_compact(v, k, t)
    idx = idx2[:, :, 0::2]
    cpair = c2.reshape(b, k, f, 2)
    cre = cpair[..., 0]
    cim = cpair[..., 1]

    nt0 = math.gcd(t, 128)
    nt1 = t // nt0
    kk = jnp.arange(tf, dtype=jnp.int32)
    ang_a = (2.0 * jnp.pi / t) * (
        (kk[:, None] * jnp.arange(nt0, dtype=jnp.int32)[None, :]) % t
    ).astype(jnp.float32)
    ar, ai = jnp.cos(ang_a), jnp.sin(ang_a)
    mm = jnp.arange(nt1, dtype=jnp.int32)
    ang_b = (2.0 * jnp.pi / nt1) * (
        (kk[:, None] % nt1) * mm[None, :] % nt1
    ).astype(jnp.float32)
    br, bi = jnp.cos(ang_b), jnp.sin(ang_b)

    table = jnp.concatenate([ar, ai, br, bi], axis=1)
    d = 2 * nt0 + 2 * nt1
    g = _sc_gather(table, idx.reshape(-1)).reshape(b, k, f, d)
    arg = g[..., :nt0]
    aig = g[..., nt0:2 * nt0]
    brg = g[..., 2 * nt0:2 * nt0 + nt1]
    big_ = g[..., 2 * nt0 + nt1:]

    gr = cre[..., None] * arg - cim[..., None] * aig
    gi = cre[..., None] * aig + cim[..., None] * arg

    hp = jax.lax.Precision.HIGHEST
    hcat = jnp.concatenate([brg, big_], axis=1)
    gcat = jnp.concatenate([gr, -gi], axis=1)
    seasonal = jnp.einsum("bjfs,bjft->bstf", hcat, gcat,
                          precision=hp)
    seasonal = seasonal.reshape(b, t, f).astype(x.dtype)
    main = (x - seasonal).astype(x.dtype)
    return (main, seasonal)

# --- scband reference (transcript-rebuilt; emitter-appended) ---
"""Pipeline reference for scband-ffttop-k-53635551593014 (READ-ONLY COPY).

The authoritative reference and input builder live on the scoring server;
editing this copy changes nothing except your own understanding.
"""

import jax, jax.numpy as jnp
import numpy as np

TOPK = 8

def setup_inputs(seed: int = 0) -> dict:
    key = jax.random.key(seed)
    x = jax.random.normal(key, (64, 8192, 64), dtype=jnp.float32)
    return {"x": x}

def reference(x):
    B, T, F_ = x.shape
    Xf = jnp.fft.rfft(x, axis=1)              # [B, Tf, F] complex64
    mag = jnp.abs(Xf)                          # [B, Tf, F]
    Tf = mag.shape[1]
    k = min(TOPK, Tf)
    # top-k along dim=1: move freq axis to last for lax.top_k
    magT = jnp.transpose(mag, (0, 2, 1))       # [B, F, Tf]
    _, topk_idx = jax.lax.top_k(magT, k)       # [B, F, k]
    maskT = jnp.zeros(magT.shape, dtype=bool)
    bidx = jnp.arange(B)[:, None, None]
    fidx = jnp.arange(F_)[None, :, None]
    maskT = maskT.at[bidx, fidx, topk_idx].set(True)
    mask = jnp.transpose(maskT, (0, 2, 1))     # [B, Tf, F]
    Xf_seasonal = jnp.where(mask, Xf, jnp.zeros_like(Xf))
    Xf_residual = Xf - Xf_seasonal
    seasonal = jnp.fft.irfft(Xf_seasonal, n=T, axis=1).astype(x.dtype)
    main = jnp.fft.irfft(Xf_residual, n=T, axis=1).astype(x.dtype)
    return (main, seasonal)

if __name__ == "__main__":
    import jax
    _d = setup_inputs()
    print(jax.jit(kernel)(*tuple(_d.values())))

</pallas_src>

<mosaic_0001>
#map = affine_map<(d0, d1) -> (0)>
#map1 = affine_map<(d0, d1) -> (0, 0)>
module attributes {stable_mosaic.version = 14 : i64} {
  func.func @gk(%arg0: i32, %arg1: i32, %arg2: memref<32768xi32, #tpu.memory_space<hbm>>, %arg3: memref<4097x384xf32, #tpu.memory_space<hbm>>, %arg4: memref<32768x384xf32, #tpu.memory_space<hbm>>, %arg5: memref<128xi32, #tpu.memory_space<vmem>>, %arg6: memref<128x384xf32, #tpu.memory_space<vmem>>, %arg7: memref<!tpu.dma_semaphore, #tpu.memory_space<semaphore_mem>>) attributes {dimension_semantics = [#tpu.dimension_semantics<core_parallel>, #tpu.dimension_semantics<subcore_parallel>], iteration_bounds = array<i64: 2, 16>, scalar_prefetch = 0 : i64, scratch_operands = 3 : i64, tpu.core_type = #tpu.core_type<sc_vector_subcore>, window_params = [{transform_indices = #map}, {transform_indices = #map1}, {transform_indices = #map1}]} {
    %mul3A = arith.constant 2 : i32
    %mul3A_0 = arith.muli %arg1, %mul3A : i32
    %add3A = arith.addi %mul3A_0, %arg0 : i32
    %mul3A_1 = arith.constant 1024 : i32
    %mul3A_2 = arith.muli %add3A, %mul3A_1 : i32
    %add3A_3 = arith.constant 0 : i32
    %add3A_4 = arith.addi %mul3A_2, %add3A_3 : i32
    "tpu.region"() ({
      %run_scoped3A = tpu.sem_alloc : memref<!tpu.dma_semaphore, #tpu.memory_space<semaphore_mem>>
      %dma_start3A_65 = tpu.memref_slice %arg2[%add3A_4] : memref<32768xi32, #tpu.memory_space<hbm>> -> memref<128xi32, #tpu.memory_space<hbm>>
      %dma_start3A_66 = tpu.memref_slice %arg2[%add3A_4] : memref<32768xi32, #tpu.memory_space<hbm>> -> memref<128xi32, #tpu.memory_space<hbm>>
      tpu.enqueue_dma source(%dma_start3A_66 : memref<128xi32, #tpu.memory_space<hbm>>) target(%arg5 : memref<128xi32, #tpu.memory_space<vmem>>) target_semaphore(%run_scoped3A : memref<!tpu.dma_semaphore, #tpu.memory_space<semaphore_mem>>)
      %dma_wait3A_67 = tpu.memref_slice %arg2[%add3A_4] : memref<32768xi32, #tpu.memory_space<hbm>> -> memref<128xi32, #tpu.memory_space<hbm>>
      %dma_wait3A_68 = tpu.memref_slice %arg2[%add3A_4] : memref<32768xi32, #tpu.memory_space<hbm>> -> memref<128xi32, #tpu.memory_space<hbm>>
      tpu.wait_dma2 semaphore(%run_scoped3A : memref<!tpu.dma_semaphore, #tpu.memory_space<semaphore_mem>>) src(%dma_wait3A_68 : memref<128xi32, #tpu.memory_space<hbm>>) dst(%arg5 : memref<128xi32, #tpu.memory_space<vmem>>)
      tpu.yield
    }) : () -> ()
    %dma_start3A = arith.constant 0 : i32
    %dma_start3A_5 = arith.constant 0 : i32
    %dma_start3A_6 = tpu.memref_slice %arg3[%dma_start3A, %dma_start3A_5] : memref<4097x384xf32, #tpu.memory_space<hbm>> -> memref<4097x384xf32, #tpu.memory_space<hbm>>
    tpu.enqueue_indirect_dma source(%dma_start3A_6 : memref<4097x384xf32, #tpu.memory_space<hbm>>) target(%arg6 : memref<128x384xf32, #tpu.memory_space<vmem>>) offsets(%arg5 : memref<128xi32, #tpu.memory_space<vmem>>) semaphore(%arg7 : memref<!tpu.dma_semaphore, #tpu.memory_space<semaphore_mem>>)
    %dma_wait3A = arith.constant 0 : i32
    %dma_wait3A_7 = arith.constant 0 : i32
    %dma_wait3A_8 = tpu.memref_slice %arg3[%dma_wait3A, %dma_wait3A_7] : memref<4097x384xf32, #tpu.memory_space<hbm>> -> memref<4097x384xf32, #tpu.memory_space<hbm>>
    tpu.wait_indirect_dma semaphore(%arg7 : memref<!tpu.dma_semaphore, #tpu.memory_space<semaphore_mem>>) src(%dma_wait3A_8 : memref<4097x384xf32, #tpu.memory_space<hbm>>) dst(%arg6 : memref<128x384xf32, #tpu.memory_space<vmem>>)
    "tpu.region"() ({
      %run_scoped3A = tpu.sem_alloc : memref<!tpu.dma_semaphore, #tpu.memory_space<semaphore_mem>>
      %dma_start3A_65 = arith.constant 0 : i32
      %dma_start3A_66 = tpu.memref_slice %arg4[%add3A_4, %dma_start3A_65] : memref<32768x384xf32, #tpu.memory_space<hbm>> -> memref<128x384xf32, #tpu.memory_space<hbm>>
      %dma_start3A_67 = arith.constant 0 : i32
      %dma_start3A_68 = tpu.memref_slice %arg4[%add3A_4, %dma_start3A_67] : memref<32768x384xf32, #tpu.memory_space<hbm>> -> memref<128x384xf32, #tpu.memory_space<hbm>>
      tpu.enqueue_dma source(%arg6 : memref<128x384xf32, #tpu.memory_space<vmem>>) target(%dma_start3A_68 : memref<128x384xf32, #tpu.memory_space<hbm>>) target_semaphore(%run_scoped3A : memref<!tpu.dma_semaphore, #tpu.memory_space<semaphore_mem>>)
      %dma_wait3A_69 = arith.constant 0 : i32
      %dma_wait3A_70 = tpu.memref_slice %arg4[%add3A_4, %dma_wait3A_69] : memref<32768x384xf32, #tpu.memory_space<hbm>> -> memref<128x384xf32, #tpu.memory_space<hbm>>
      %dma_wait3A_71 = arith.constant 0 : i32
      %dma_wait3A_72 = tpu.memref_slice %arg4[%add3A_4, %dma_wait3A_71] : memref<32768x384xf32, #tpu.memory_space<hbm>> -> memref<128x384xf32, #tpu.memory_space<hbm>>
      tpu.wait_dma2 semaphore(%run_scoped3A : memref<!tpu.dma_semaphore, #tpu.memory_space<semaphore_mem>>) src(%arg6 : memref<128x384xf32, #tpu.memory_space<vmem>>) dst(%dma_wait3A_72 : memref<128x384xf32, #tpu.memory_space<hbm>>)
      tpu.yield
    }) : () -> ()
    %add3A_9 = arith.constant 128 : i32
    %add3A_10 = arith.addi %mul3A_2, %add3A_9 : i32
    "tpu.region"() ({
      %run_scoped3A = tpu.sem_alloc : memref<!tpu.dma_semaphore, #tpu.memory_space<semaphore_mem>>
      %dma_start3A_65 = tpu.memref_slice %arg2[%add3A_10] : memref<32768xi32, #tpu.memory_space<hbm>> -> memref<128xi32, #tpu.memory_space<hbm>>
      %dma_start3A_66 = tpu.memref_slice %arg2[%add3A_10] : memref<32768xi32, #tpu.memory_space<hbm>> -> memref<128xi32, #tpu.memory_space<hbm>>
      tpu.enqueue_dma source(%dma_start3A_66 : memref<128xi32, #tpu.memory_space<hbm>>) target(%arg5 : memref<128xi32, #tpu.memory_space<vmem>>) target_semaphore(%run_scoped3A : memref<!tpu.dma_semaphore, #tpu.memory_space<semaphore_mem>>)
      %dma_wait3A_67 = tpu.memref_slice %arg2[%add3A_10] : memref<32768xi32, #tpu.memory_space<hbm>> -> memref<128xi32, #tpu.memory_space<hbm>>
      %dma_wait3A_68 = tpu.memref_slice %arg2[%add3A_10] : memref<32768xi32, #tpu.memory_space<hbm>> -> memref<128xi32, #tpu.memory_space<hbm>>
      tpu.wait_dma2 semaphore(%run_scoped3A : memref<!tpu.dma_semaphore, #tpu.memory_space<semaphore_mem>>) src(%dma_wait3A_68 : memref<128xi32, #tpu.memory_space<hbm>>) dst(%arg5 : memref<128xi32, #tpu.memory_space<vmem>>)
      tpu.yield
    }) : () -> ()
    %dma_start3A_11 = arith.constant 0 : i32
    %dma_start3A_12 = arith.constant 0 : i32
    %dma_start3A_13 = tpu.memref_slice %arg3[%dma_start3A_11, %dma_start3A_12] : memref<4097x384xf32, #tpu.memory_space<hbm>> -> memref<4097x384xf32, #tpu.memory_space<hbm>>
    tpu.enqueue_indirect_dma source(%dma_start3A_13 : memref<4097x384xf32, #tpu.memory_space<hbm>>) target(%arg6 : memref<128x384xf32, #tpu.memory_space<vmem>>) offsets(%arg5 : memref<128xi32, #tpu.memory_space<vmem>>) semaphore(%arg7 : memref<!tpu.dma_semaphore, #tpu.memory_space<semaphore_mem>>)
    %dma_wait3A_14 = arith.constant 0 : i32
    %dma_wait3A_15 = arith.constant 0 : i32
    %dma_wait3A_16 = tpu.memref_slice %arg3[%dma_wait3A_14, %dma_wait3A_15] : memref<4097x384xf32, #tpu.memory_space<hbm>> -> memref<4097x384xf32, #tpu.memory_space<hbm>>
    tpu.wait_indirect_dma semaphore(%arg7 : memref<!tpu.dma_semaphore, #tpu.memory_space<semaphore_mem>>) src(%dma_wait3A_16 : memref<4097x384xf32, #tpu.memory_space<hbm>>) dst(%arg6 : memref<128x384xf32, #tpu.memory_space<vmem>>)
    "tpu.region"() ({
      %run_scoped3A = tpu.sem_alloc : memref<!tpu.dma_semaphore, #tpu.memory_space<semaphore_mem>>
      %dma_start3A_65 = arith.constant 0 : i32
      %dma_start3A_66 = tpu.memref_slice %arg4[%add3A_10, %dma_start3A_65] : memref<32768x384xf32, #tpu.memory_space<hbm>> -> memref<128x384xf32, #tpu.memory_space<hbm>>
      %dma_start3A_67 = arith.constant 0 : i32
      %dma_start3A_68 = tpu.memref_slice %arg4[%add3A_10, %dma_start3A_67] : memref<32768x384xf32, #tpu.memory_space<hbm>> -> memref<128x384xf32, #tpu.memory_space<hbm>>
      tpu.enqueue_dma source(%arg6 : memref<128x384xf32, #tpu.memory_space<vmem>>) target(%dma_start3A_68 : memref<128x384xf32, #tpu.memory_space<hbm>>) target_semaphore(%run_scoped3A : memref<!tpu.dma_semaphore, #tpu.memory_space<semaphore_mem>>)
      %dma_wait3A_69 = arith.constant 0 : i32
      %dma_wait3A_70 = tpu.memref_slice %arg4[%add3A_10, %dma_wait3A_69] : memref<32768x384xf32, #tpu.memory_space<hbm>> -> memref<128x384xf32, #tpu.memory_space<hbm>>
      %dma_wait3A_71 = arith.constant 0 : i32
      %dma_wait3A_72 = tpu.memref_slice %arg4[%add3A_10, %dma_wait3A_71] : memref<32768x384xf32, #tpu.memory_space<hbm>> -> memref<128x384xf32, #tpu.memory_space<hbm>>
      tpu.wait_dma2 semaphore(%run_scoped3A : memref<!tpu.dma_semaphore, #tpu.memory_space<semaphore_mem>>) src(%arg6 : memref<128x384xf32, #tpu.memory_space<vmem>>) dst(%dma_wait3A_72 : memref<128x384xf32, #tpu.memory_space<hbm>>)
      tpu.yield
    }) : () -> ()
    %add3A_17 = arith.constant 256 : i32
    %add3A_18 = arith.addi %mul3A_2, %add3A_17 : i32
    "tpu.region"() ({
      %run_scoped3A = tpu.sem_alloc : memref<!tpu.dma_semaphore, #tpu.memory_space<semaphore_mem>>
      %dma_start3A_65 = tpu.memref_slice %arg2[%add3A_18] : memref<32768xi32, #tpu.memory_space<hbm>> -> memref<128xi32, #tpu.memory_space<hbm>>
      %dma_start3A_66 = tpu.memref_slice %arg2[%add3A_18] : memref<32768xi32, #tpu.memory_space<hbm>> -> memref<128xi32, #tpu.memory_space<hbm>>
      tpu.enqueue_dma source(%dma_start3A_66 : memref<128xi32, #tpu.memory_space<hbm>>) target(%arg5 : memref<128xi32, #tpu.memory_space<vmem>>) target_semaphore(%run_scoped3A : memref<!tpu.dma_semaphore, #tpu.memory_space<semaphore_mem>>)
      %dma_wait3A_67 = tpu.memref_slice %arg2[%add3A_18] : memref<32768xi32, #tpu.memory_space<hbm>> -> memref<128xi32, #tpu.memory_space<hbm>>
      %dma_wait3A_68 = tpu.memref_slice %arg2[%add3A_18] : memref<32768xi32, #tpu.memory_space<hbm>> -> memref<128xi32, #tpu.memory_space<hbm>>
      tpu.wait_dma2 semaphore(%run_scoped3A : memref<!tpu.dma_semaphore, #tpu.memory_space<semaphore_mem>>) src(%dma_wait3A_68 : memref<128xi32, #tpu.memory_space<hbm>>) dst(%arg5 : memref<128xi32, #tpu.memory_space<vmem>>)
      tpu.yield
    }) : () -> ()
    %dma_start3A_19 = arith.constant 0 : i32
    %dma_start3A_20 = arith.constant 0 : i32
    %dma_start3A_21 = tpu.memref_slice %arg3[%dma_start3A_19, %dma_start3A_20] : memref<4097x384xf32, #tpu.memory_space<hbm>> -> memref<4097x384xf32, #tpu.memory_space<hbm>>
    tpu.enqueue_indirect_dma source(%dma_start3A_21 : memref<4097x384xf32, #tpu.memory_space<hbm>>) target(%arg6 : memref<128x384xf32, #tpu.memory_space<vmem>>) offsets(%arg5 : memref<128xi32, #tpu.memory_space<vmem>>) semaphore(%arg7 : memref<!tpu.dma_semaphore, #tpu.memory_space<semaphore_mem>>)
    %dma_wait3A_22 = arith.constant 0 : i32
    %dma_wait3A_23 = arith.constant 0 : i32
    %dma_wait3A_24 = tpu.memref_slice %arg3[%dma_wait3A_22, %dma_wait3A_23] : memref<4097x384xf32, #tpu.memory_space<hbm>> -> memref<4097x384xf32, #tpu.memory_space<hbm>>
    tpu.wait_indirect_dma semaphore(%arg7 : memref<!tpu.dma_semaphore, #tpu.memory_space<semaphore_mem>>) src(%dma_wait3A_24 : memref<4097x384xf32, #tpu.memory_space<hbm>>) dst(%arg6 : memref<128x384xf32, #tpu.memory_space<vmem>>)
    "tpu.region"() ({
      %run_scoped3A = tpu.sem_alloc : memref<!tpu.dma_semaphore, #tpu.memory_space<semaphore_mem>>
      %dma_start3A_65 = arith.constant 0 : i32
      %dma_start3A_66 = tpu.memref_slice %arg4[%add3A_18, %dma_start3A_65] : memref<32768x384xf32, #tpu.memory_space<hbm>> -> memref<128x384xf32, #tpu.memory_space<hbm>>
      %dma_start3A_67 = arith.constant 0 : i32
      %dma_start3A_68 = tpu.memref_slice %arg4[%add3A_18, %dma_start3A_67] : memref<32768x384xf32, #tpu.memory_space<hbm>> -> memref<128x384xf32, #tpu.memory_space<hbm>>
      tpu.enqueue_dma source(%arg6 : memref<128x384xf32, #tpu.memory_space<vmem>>) target(%dma_start3A_68 : memref<128x384xf32, #tpu.memory_space<hbm>>) target_semaphore(%run_scoped3A : memref<!tpu.dma_semaphore, #tpu.memory_space<semaphore_mem>>)
      %dma_wait3A_69 = arith.constant 0 : i32
      %dma_wait3A_70 = tpu.memref_slice %arg4[%add3A_18, %dma_wait3A_69] : memref<32768x384xf32, #tpu.memory_space<hbm>> -> memref<128x384xf32, #tpu.memory_space<hbm>>
      %dma_wait3A_71 = arith.constant 0 : i32
      %dma_wait3A_72 = tpu.memref_slice %arg4[%add3A_18, %dma_wait3A_71] : memref<32768x384xf32, #tpu.memory_space<hbm>> -> memref<128x384xf32, #tpu.memory_space<hbm>>
      tpu.wait_dma2 semaphore(%run_scoped3A : memref<!tpu.dma_semaphore, #tpu.memory_space<semaphore_mem>>) src(%arg6 : memref<128x384xf32, #tpu.memory_space<vmem>>) dst(%dma_wait3A_72 : memref<128x384xf32, #tpu.memory_space<hbm>>)
      tpu.yield
    }) : () -> ()
    %add3A_25 = arith.constant 384 : i32
    %add3A_26 = arith.addi %mul3A_2, %add3A_25 : i32
    "tpu.region"() ({
      %run_scoped3A = tpu.sem_alloc : memref<!tpu.dma_semaphore, #tpu.memory_space<semaphore_mem>>
      %dma_start3A_65 = tpu.memref_slice %arg2[%add3A_26] : memref<32768xi32, #tpu.memory_space<hbm>> -> memref<128xi32, #tpu.memory_space<hbm>>
      %dma_start3A_66 = tpu.memref_slice %arg2[%add3A_26] : memref<32768xi32, #tpu.memory_space<hbm>> -> memref<128xi32, #tpu.memory_space<hbm>>
      tpu.enqueue_dma source(%dma_start3A_66 : memref<128xi32, #tpu.memory_space<hbm>>) target(%arg5 : memref<128xi32, #tpu.memory_space<vmem>>) target_semaphore(%run_scoped3A : memref<!tpu.dma_semaphore, #tpu.memory_space<semaphore_mem>>)
      %dma_wait3A_67 = tpu.memref_slice %arg2[%add3A_26] : memref<32768xi32, #tpu.memory_space<hbm>> -> memref<128xi32, #tpu.memory_space<hbm>>
      %dma_wait3A_68 = tpu.memref_slice %arg2[%add3A_26] : memref<32768xi32, #tpu.memory_space<hbm>> -> memref<128xi32, #tpu.memory_space<hbm>>
      tpu.wait_dma2 semaphore(%run_scoped3A : memref<!tpu.dma_semaphore, #tpu.memory_space<semaphore_mem>>) src(%dma_wait3A_68 : memref<128xi32, #tpu.memory_space<hbm>>) dst(%arg5 : memref<128xi32, #tpu.memory_space<vmem>>)
      tpu.yield
    }) : () -> ()
    %dma_start3A_27 = arith.constant 0 : i32
    %dma_start3A_28 = arith.constant 0 : i32
    %dma_start3A_29 = tpu.memref_slice %arg3[%dma_start3A_27, %dma_start3A_28] : memref<4097x384xf32, #tpu.memory_space<hbm>> -> memref<4097x384xf32, #tpu.memory_space<hbm>>
    tpu.enqueue_indirect_dma source(%dma_start3A_29 : memref<4097x384xf32, #tpu.memory_space<hbm>>) target(%arg6 : memref<128x384xf32, #tpu.memory_space<vmem>>) offsets(%arg5 : memref<128xi32, #tpu.memory_space<vmem>>) semaphore(%arg7 : memref<!tpu.dma_semaphore, #tpu.memory_space<semaphore_mem>>)
    %dma_wait3A_30 = arith.constant 0 : i32
    %dma_wait3A_31 = arith.constant 0 : i32
    %dma_wait3A_32 = tpu.memref_slice %arg3[%dma_wait3A_30, %dma_wait3A_31] : memref<4097x384xf32, #tpu.memory_space<hbm>> -> memref<4097x384xf32, #tpu.memory_space<hbm>>
    tpu.wait_indirect_dma semaphore(%arg7 : memref<!tpu.dma_semaphore, #tpu.memory_space<semaphore_mem>>) src(%dma_wait3A_32 : memref<4097x384xf32, #tpu.memory_space<hbm>>) dst(%arg6 : memref<128x384xf32, #tpu.memory_space<vmem>>)
    "tpu.region"() ({
      %run_scoped3A = tpu.sem_alloc : memref<!tpu.dma_semaphore, #tpu.memory_space<semaphore_mem>>
      %dma_start3A_65 = arith.constant 0 : i32
      %dma_start3A_66 = tpu.memref_slice %arg4[%add3A_26, %dma_start3A_65] : memref<32768x384xf32, #tpu.memory_space<hbm>> -> memref<128x384xf32, #tpu.memory_space<hbm>>
      %dma_start3A_67 = arith.constant 0 : i32
      %dma_start3A_68 = tpu.memref_slice %arg4[%add3A_26, %dma_start3A_67] : memref<32768x384xf32, #tpu.memory_space<hbm>> -> memref<128x384xf32, #tpu.memory_space<hbm>>
      tpu.enqueue_dma source(%arg6 : memref<128x384xf32, #tpu.memory_space<vmem>>) target(%dma_start3A_68 : memref<128x384xf32, #tpu.memory_space<hbm>>) target_semaphore(%run_scoped3A : memref<!tpu.dma_semaphore, #tpu.memory_space<semaphore_mem>>)
      %dma_wait3A_69 = arith.constant 0 : i32
      %dma_wait3A_70 = tpu.memref_slice %arg4[%add3A_26, %dma_wait3A_69] : memref<32768x384xf32, #tpu.memory_space<hbm>> -> memref<128x384xf32, #tpu.memory_space<hbm>>
      %dma_wait3A_71 = arith.constant 0 : i32
      %dma_wait3A_72 = tpu.memref_slice %arg4[%add3A_26, %dma_wait3A_71] : memref<32768x384xf32, #tpu.memory_space<hbm>> -> memref<128x384xf32, #tpu.memory_space<hbm>>
      tpu.wait_dma2 semaphore(%run_scoped3A : memref<!tpu.dma_semaphore, #tpu.memory_space<semaphore_mem>>) src(%arg6 : memref<128x384xf32, #tpu.memory_space<vmem>>) dst(%dma_wait3A_72 : memref<128x384xf32, #tpu.memory_space<hbm>>)
      tpu.yield
    }) : () -> ()
    %add3A_33 = arith.constant 512 : i32
    %add3A_34 = arith.addi %mul3A_2, %add3A_33 : i32
    "tpu.region"() ({
      %run_scoped3A = tpu.sem_alloc : memref<!tpu.dma_semaphore, #tpu.memory_space<semaphore_mem>>
      %dma_start3A_65 = tpu.memref_slice %arg2[%add3A_34] : memref<32768xi32, #tpu.memory_space<hbm>> -> memref<128xi32, #tpu.memory_space<hbm>>
      %dma_start3A_66 = tpu.memref_slice %arg2[%add3A_34] : memref<32768xi32, #tpu.memory_space<hbm>> -> memref<128xi32, #tpu.memory_space<hbm>>
      tpu.enqueue_dma source(%dma_start3A_66 : memref<128xi32, #tpu.memory_space<hbm>>) target(%arg5 : memref<128xi32, #tpu.memory_space<vmem>>) target_semaphore(%run_scoped3A : memref<!tpu.dma_semaphore, #tpu.memory_space<semaphore_mem>>)
      %dma_wait3A_67 = tpu.memref_slice %arg2[%add3A_34] : memref<32768xi32, #tpu.memory_space<hbm>> -> memref<128xi32, #tpu.memory_space<hbm>>
      %dma_wait3A_68 = tpu.memref_slice %arg2[%add3A_34] : memref<32768xi32, #tpu.memory_space<hbm>> -> memref<128xi32, #tpu.memory_space<hbm>>
      tpu.wait_dma2 semaphore(%run_scoped3A : memref<!tpu.dma_semaphore, #tpu.memory_space<semaphore_mem>>) src(%dma_wait3A_68 : memref<128xi32, #tpu.memory_space<hbm>>) dst(%arg5 : memref<128xi32, #tpu.memory_space<vmem>>)
      tpu.yield
    }) : () -> ()
    %dma_start3A_35 = arith.constant 0 : i32
    %dma_start3A_36 = arith.constant 0 : i32
    %dma_start3A_37 = tpu.memref_slice %arg3[%dma_start3A_35, %dma_start3A_36] : memref<4097x384xf32, #tpu.memory_space<hbm>> -> memref<4097x384xf32, #tpu.memory_space<hbm>>
    tpu.enqueue_indirect_dma source(%dma_start3A_37 : memref<4097x384xf32, #tpu.memory_space<hbm>>) target(%arg6 : memref<128x384xf32, #tpu.memory_space<vmem>>) offsets(%arg5 : memref<128xi32, #tpu.memory_space<vmem>>) semaphore(%arg7 : memref<!tpu.dma_semaphore, #tpu.memory_space<semaphore_mem>>)
    %dma_wait3A_38 = arith.constant 0 : i32
    %dma_wait3A_39 = arith.constant 0 : i32
    %dma_wait3A_40 = tpu.memref_slice %arg3[%dma_wait3A_38, %dma_wait3A_39] : memref<4097x384xf32, #tpu.memory_space<hbm>> -> memref<4097x384xf32, #tpu.memory_space<hbm>>
    tpu.wait_indirect_dma semaphore(%arg7 : memref<!tpu.dma_semaphore, #tpu.memory_space<semaphore_mem>>) src(%dma_wait3A_40 : memref<4097x384xf32, #tpu.memory_space<hbm>>) dst(%arg6 : memref<128x384xf32, #tpu.memory_space<vmem>>)
    "tpu.region"() ({
      %run_scoped3A = tpu.sem_alloc : memref<!tpu.dma_semaphore, #tpu.memory_space<semaphore_mem>>
      %dma_start3A_65 = arith.constant 0 : i32
      %dma_start3A_66 = tpu.memref_slice %arg4[%add3A_34, %dma_start3A_65] : memref<32768x384xf32, #tpu.memory_space<hbm>> -> memref<128x384xf32, #tpu.memory_space<hbm>>
      %dma_start3A_67 = arith.constant 0 : i32
      %dma_start3A_68 = tpu.memref_slice %arg4[%add3A_34, %dma_start3A_67] : memref<32768x384xf32, #tpu.memory_space<hbm>> -> memref<128x384xf32, #tpu.memory_space<hbm>>
      tpu.enqueue_dma source(%arg6 : memref<128x384xf32, #tpu.memory_space<vmem>>) target(%dma_start3A_68 : memref<128x384xf32, #tpu.memory_space<hbm>>) target_semaphore(%run_scoped3A : memref<!tpu.dma_semaphore, #tpu.memory_space<semaphore_mem>>)
      %dma_wait3A_69 = arith.constant 0 : i32
      %dma_wait3A_70 = tpu.memref_slice %arg4[%add3A_34, %dma_wait3A_69] : memref<32768x384xf32, #tpu.memory_space<hbm>> -> memref<128x384xf32, #tpu.memory_space<hbm>>
      %dma_wait3A_71 = arith.constant 0 : i32
      %dma_wait3A_72 = tpu.memref_slice %arg4[%add3A_34, %dma_wait3A_71] : memref<32768x384xf32, #tpu.memory_space<hbm>> -> memref<128x384xf32, #tpu.memory_space<hbm>>
      tpu.wait_dma2 semaphore(%run_scoped3A : memref<!tpu.dma_semaphore, #tpu.memory_space<semaphore_mem>>) src(%arg6 : memref<128x384xf32, #tpu.memory_space<vmem>>) dst(%dma_wait3A_72 : memref<128x384xf32, #tpu.memory_space<hbm>>)
      tpu.yield
    }) : () -> ()
    %add3A_41 = arith.constant 640 : i32
    %add3A_42 = arith.addi %mul3A_2, %add3A_41 : i32
    "tpu.region"() ({
      %run_scoped3A = tpu.sem_alloc : memref<!tpu.dma_semaphore, #tpu.memory_space<semaphore_mem>>
      %dma_start3A_65 = tpu.memref_slice %arg2[%add3A_42] : memref<32768xi32, #tpu.memory_space<hbm>> -> memref<128xi32, #tpu.memory_space<hbm>>
      %dma_start3A_66 = tpu.memref_slice %arg2[%add3A_42] : memref<32768xi32, #tpu.memory_space<hbm>> -> memref<128xi32, #tpu.memory_space<hbm>>
      tpu.enqueue_dma source(%dma_start3A_66 : memref<128xi32, #tpu.memory_space<hbm>>) target(%arg5 : memref<128xi32, #tpu.memory_space<vmem>>) target_semaphore(%run_scoped3A : memref<!tpu.dma_semaphore, #tpu.memory_space<semaphore_mem>>)
      %dma_wait3A_67 = tpu.memref_slice %arg2[%add3A_42] : memref<32768xi32, #tpu.memory_space<hbm>> -> memref<128xi32, #tpu.memory_space<hbm>>
      %dma_wait3A_68 = tpu.memref_slice %arg2[%add3A_42] : memref<32768xi32, #tpu.memory_space<hbm>> -> memref<128xi32, #tpu.memory_space<hbm>>
      tpu.wait_dma2 semaphore(%run_scoped3A : memref<!tpu.dma_semaphore, #tpu.memory_space<semaphore_mem>>) src(%dma_wait3A_68 : memref<128xi32, #tpu.memory_space<hbm>>) dst(%arg5 : memref<128xi32, #tpu.memory_space<vmem>>)
      tpu.yield
    }) : () -> ()
    %dma_start3A_43 = arith.constant 0 : i32
    %dma_start3A_44 = arith.constant 0 : i32
    %dma_start3A_45 = tpu.memref_slice %arg3[%dma_start3A_43, %dma_start3A_44] : memref<4097x384xf32, #tpu.memory_space<hbm>> -> memref<4097x384xf32, #tpu.memory_space<hbm>>
    tpu.enqueue_indirect_dma source(%dma_start3A_45 : memref<4097x384xf32, #tpu.memory_space<hbm>>) target(%arg6 : memref<128x384xf32, #tpu.memory_space<vmem>>) offsets(%arg5 : memref<128xi32, #tpu.memory_space<vmem>>) semaphore(%arg7 : memref<!tpu.dma_semaphore, #tpu.memory_space<semaphore_mem>>)
    %dma_wait3A_46 = arith.constant 0 : i32
    %dma_wait3A_47 = arith.constant 0 : i32
    %dma_wait3A_48 = tpu.memref_slice %arg3[%dma_wait3A_46, %dma_wait3A_47] : memref<4097x384xf32, #tpu.memory_space<hbm>> -> memref<4097x384xf32, #tpu.memory_space<hbm>>
    tpu.wait_indirect_dma semaphore(%arg7 : memref<!tpu.dma_semaphore, #tpu.memory_space<semaphore_mem>>) src(%dma_wait3A_48 : memref<4097x384xf32, #tpu.memory_space<hbm>>) dst(%arg6 : memref<128x384xf32, #tpu.memory_space<vmem>>)
    "tpu.region"() ({
      %run_scoped3A = tpu.sem_alloc : memref<!tpu.dma_semaphore, #tpu.memory_space<semaphore_mem>>
      %dma_start3A_65 = arith.constant 0 : i32
      %dma_start3A_66 = tpu.memref_slice %arg4[%add3A_42, %dma_start3A_65] : memref<32768x384xf32, #tpu.memory_space<hbm>> -> memref<128x384xf32, #tpu.memory_space<hbm>>
      %dma_start3A_67 = arith.constant 0 : i32
      %dma_start3A_68 = tpu.memref_slice %arg4[%add3A_42, %dma_start3A_67] : memref<32768x384xf32, #tpu.memory_space<hbm>> -> memref<128x384xf32, #tpu.memory_space<hbm>>
      tpu.enqueue_dma source(%arg6 : memref<128x384xf32, #tpu.memory_space<vmem>>) target(%dma_start3A_68 : memref<128x384xf32, #tpu.memory_space<hbm>>) target_semaphore(%run_scoped3A : memref<!tpu.dma_semaphore, #tpu.memory_space<semaphore_mem>>)
      %dma_wait3A_69 = arith.constant 0 : i32
      %dma_wait3A_70 = tpu.memref_slice %arg4[%add3A_42, %dma_wait3A_69] : memref<32768x384xf32, #tpu.memory_space<hbm>> -> memref<128x384xf32, #tpu.memory_space<hbm>>
      %dma_wait3A_71 = arith.constant 0 : i32
      %dma_wait3A_72 = tpu.memref_slice %arg4[%add3A_42, %dma_wait3A_71] : memref<32768x384xf32, #tpu.memory_space<hbm>> -> memref<128x384xf32, #tpu.memory_space<hbm>>
      tpu.wait_dma2 semaphore(%run_scoped3A : memref<!tpu.dma_semaphore, #tpu.memory_space<semaphore_mem>>) src(%arg6 : memref<128x384xf32, #tpu.memory_space<vmem>>) dst(%dma_wait3A_72 : memref<128x384xf32, #tpu.memory_space<hbm>>)
      tpu.yield
    }) : () -> ()
    %add3A_49 = arith.constant 768 : i32
    %add3A_50 = arith.addi %mul3A_2, %add3A_49 : i32
    "tpu.region"() ({
      %run_scoped3A = tpu.sem_alloc : memref<!tpu.dma_semaphore, #tpu.memory_space<semaphore_mem>>
      %dma_start3A_65 = tpu.memref_slice %arg2[%add3A_50] : memref<32768xi32, #tpu.memory_space<hbm>> -> memref<128xi32, #tpu.memory_space<hbm>>
      %dma_start3A_66 = tpu.memref_slice %arg2[%add3A_50] : memref<32768xi32, #tpu.memory_space<hbm>> -> memref<128xi32, #tpu.memory_space<hbm>>
      tpu.enqueue_dma source(%dma_start3A_66 : memref<128xi32, #tpu.memory_space<hbm>>) target(%arg5 : memref<128xi32, #tpu.memory_space<vmem>>) target_semaphore(%run_scoped3A : memref<!tpu.dma_semaphore, #tpu.memory_space<semaphore_mem>>)
      %dma_wait3A_67 = tpu.memref_slice %arg2[%add3A_50] : memref<32768xi32, #tpu.memory_space<hbm>> -> memref<128xi32, #tpu.memory_space<hbm>>
      %dma_wait3A_68 = tpu.memref_slice %arg2[%add3A_50] : memref<32768xi32, #tpu.memory_space<hbm>> -> memref<128xi32, #tpu.memory_space<hbm>>
      tpu.wait_dma2 semaphore(%run_scoped3A : memref<!tpu.dma_semaphore, #tpu.memory_space<semaphore_mem>>) src(%dma_wait3A_68 : memref<128xi32, #tpu.memory_space<hbm>>) dst(%arg5 : memref<128xi32, #tpu.memory_space<vmem>>)
      tpu.yield
    }) : () -> ()
    %dma_start3A_51 = arith.constant 0 : i32
    %dma_start3A_52 = arith.constant 0 : i32
    %dma_start3A_53 = tpu.memref_slice %arg3[%dma_start3A_51, %dma_start3A_52] : memref<4097x384xf32, #tpu.memory_space<hbm>> -> memref<4097x384xf32, #tpu.memory_space<hbm>>
    tpu.enqueue_indirect_dma source(%dma_start3A_53 : memref<4097x384xf32, #tpu.memory_space<hbm>>) target(%arg6 : memref<128x384xf32, #tpu.memory_space<vmem>>) offsets(%arg5 : memref<128xi32, #tpu.memory_space<vmem>>) semaphore(%arg7 : memref<!tpu.dma_semaphore, #tpu.memory_space<semaphore_mem>>)
    %dma_wait3A_54 = arith.constant 0 : i32
    %dma_wait3A_55 = arith.constant 0 : i32
    %dma_wait3A_56 = tpu.memref_slice %arg3[%dma_wait3A_54, %dma_wait3A_55] : memref<4097x384xf32, #tpu.memory_space<hbm>> -> memref<4097x384xf32, #tpu.memory_space<hbm>>
    tpu.wait_indirect_dma semaphore(%arg7 : memref<!tpu.dma_semaphore, #tpu.memory_space<semaphore_mem>>) src(%dma_wait3A_56 : memref<4097x384xf32, #tpu.memory_space<hbm>>) dst(%arg6 : memref<128x384xf32, #tpu.memory_space<vmem>>)
    "tpu.region"() ({
      %run_scoped3A = tpu.sem_alloc : memref<!tpu.dma_semaphore, #tpu.memory_space<semaphore_mem>>
      %dma_start3A_65 = arith.constant 0 : i32
      %dma_start3A_66 = tpu.memref_slice %arg4[%add3A_50, %dma_start3A_65] : memref<32768x384xf32, #tpu.memory_space<hbm>> -> memref<128x384xf32, #tpu.memory_space<hbm>>
      %dma_start3A_67 = arith.constant 0 : i32
      %dma_start3A_68 = tpu.memref_slice %arg4[%add3A_50, %dma_start3A_67] : memref<32768x384xf32, #tpu.memory_space<hbm>> -> memref<128x384xf32, #tpu.memory_space<hbm>>
      tpu.enqueue_dma source(%arg6 : memref<128x384xf32, #tpu.memory_space<vmem>>) target(%dma_start3A_68 : memref<128x384xf32, #tpu.memory_space<hbm>>) target_semaphore(%run_scoped3A : memref<!tpu.dma_semaphore, #tpu.memory_space<semaphore_mem>>)
      %dma_wait3A_69 = arith.constant 0 : i32
      %dma_wait3A_70 = tpu.memref_slice %arg4[%add3A_50, %dma_wait3A_69] : memref<32768x384xf32, #tpu.memory_space<hbm>> -> memref<128x384xf32, #tpu.memory_space<hbm>>
      %dma_wait3A_71 = arith.constant 0 : i32
      %dma_wait3A_72 = tpu.memref_slice %arg4[%add3A_50, %dma_wait3A_71] : memref<32768x384xf32, #tpu.memory_space<hbm>> -> memref<128x384xf32, #tpu.memory_space<hbm>>
      tpu.wait_dma2 semaphore(%run_scoped3A : memref<!tpu.dma_semaphore, #tpu.memory_space<semaphore_mem>>) src(%arg6 : memref<128x384xf32, #tpu.memory_space<vmem>>) dst(%dma_wait3A_72 : memref<128x384xf32, #tpu.memory_space<hbm>>)
      tpu.yield
    }) : () -> ()
    %add3A_57 = arith.constant 896 : i32
    %add3A_58 = arith.addi %mul3A_2, %add3A_57 : i32
    "tpu.region"() ({
      %run_scoped3A = tpu.sem_alloc : memref<!tpu.dma_semaphore, #tpu.memory_space<semaphore_mem>>
      %dma_start3A_65 = tpu.memref_slice %arg2[%add3A_58] : memref<32768xi32, #tpu.memory_space<hbm>> -> memref<128xi32, #tpu.memory_space<hbm>>
      %dma_start3A_66 = tpu.memref_slice %arg2[%add3A_58] : memref<32768xi32, #tpu.memory_space<hbm>> -> memref<128xi32, #tpu.memory_space<hbm>>
      tpu.enqueue_dma source(%dma_start3A_66 : memref<128xi32, #tpu.memory_space<hbm>>) target(%arg5 : memref<128xi32, #tpu.memory_space<vmem>>) target_semaphore(%run_scoped3A : memref<!tpu.dma_semaphore, #tpu.memory_space<semaphore_mem>>)
      %dma_wait3A_67 = tpu.memref_slice %arg2[%add3A_58] : memref<32768xi32, #tpu.memory_space<hbm>> -> memref<128xi32, #tpu.memory_space<hbm>>
      %dma_wait3A_68 = tpu.memref_slice %arg2[%add3A_58] : memref<32768xi32, #tpu.memory_space<hbm>> -> memref<128xi32, #tpu.memory_space<hbm>>
      tpu.wait_dma2 semaphore(%run_scoped3A : memref<!tpu.dma_semaphore, #tpu.memory_space<semaphore_mem>>) src(%dma_wait3A_68 : memref<128xi32, #tpu.memory_space<hbm>>) dst(%arg5 : memref<128xi32, #tpu.memory_space<vmem>>)
      tpu.yield
    }) : () -> ()
    %dma_start3A_59 = arith.constant 0 : i32
    %dma_start3A_60 = arith.constant 0 : i32
    %dma_start3A_61 = tpu.memref_slice %arg3[%dma_start3A_59, %dma_start3A_60] : memref<4097x384xf32, #tpu.memory_space<hbm>> -> memref<4097x384xf32, #tpu.memory_space<hbm>>
    tpu.enqueue_indirect_dma source(%dma_start3A_61 : memref<4097x384xf32, #tpu.memory_space<hbm>>) target(%arg6 : memref<128x384xf32, #tpu.memory_space<vmem>>) offsets(%arg5 : memref<128xi32, #tpu.memory_space<vmem>>) semaphore(%arg7 : memref<!tpu.dma_semaphore, #tpu.memory_space<semaphore_mem>>)
    %dma_wait3A_62 = arith.constant 0 : i32
    %dma_wait3A_63 = arith.constant 0 : i32
    %dma_wait3A_64 = tpu.memref_slice %arg3[%dma_wait3A_62, %dma_wait3A_63] : memref<4097x384xf32, #tpu.memory_space<hbm>> -> memref<4097x384xf32, #tpu.memory_space<hbm>>
    tpu.wait_indirect_dma semaphore(%arg7 : memref<!tpu.dma_semaphore, #tpu.memory_space<semaphore_mem>>) src(%dma_wait3A_64 : memref<4097x384xf32, #tpu.memory_space<hbm>>) dst(%arg6 : memref<128x384xf32, #tpu.memory_space<vmem>>)
    "tpu.region"() ({
      %run_scoped3A = tpu.sem_alloc : memref<!tpu.dma_semaphore, #tpu.memory_space<semaphore_mem>>
      %dma_start3A_65 = arith.constant 0 : i32
      %dma_start3A_66 = tpu.memref_slice %arg4[%add3A_58, %dma_start3A_65] : memref<32768x384xf32, #tpu.memory_space<hbm>> -> memref<128x384xf32, #tpu.memory_space<hbm>>
      %dma_start3A_67 = arith.constant 0 : i32
      %dma_start3A_68 = tpu.memref_slice %arg4[%add3A_58, %dma_start3A_67] : memref<32768x384xf32, #tpu.memory_space<hbm>> -> memref<128x384xf32, #tpu.memory_space<hbm>>
      tpu.enqueue_dma source(%arg6 : memref<128x384xf32, #tpu.memory_space<vmem>>) target(%dma_start3A_68 : memref<128x384xf32, #tpu.memory_space<hbm>>) target_semaphore(%run_scoped3A : memref<!tpu.dma_semaphore, #tpu.memory_space<semaphore_mem>>)
      %dma_wait3A_69 = arith.constant 0 : i32
      %dma_wait3A_70 = tpu.memref_slice %arg4[%add3A_58, %dma_wait3A_69] : memref<32768x384xf32, #tpu.memory_space<hbm>> -> memref<128x384xf32, #tpu.memory_space<hbm>>
      %dma_wait3A_71 = arith.constant 0 : i32
      %dma_wait3A_72 = tpu.memref_slice %arg4[%add3A_58, %dma_wait3A_71] : memref<32768x384xf32, #tpu.memory_space<hbm>> -> memref<128x384xf32, #tpu.memory_space<hbm>>
      tpu.wait_dma2 semaphore(%run_scoped3A : memref<!tpu.dma_semaphore, #tpu.memory_space<semaphore_mem>>) src(%arg6 : memref<128x384xf32, #tpu.memory_space<vmem>>) dst(%dma_wait3A_72 : memref<128x384xf32, #tpu.memory_space<hbm>>)
      tpu.yield
    }) : () -> ()
    return
  }
}

module attributes {stable_mosaic.version = 14 : i64} {
  func.func @_topk_body(%arg0: i32, %arg1: memref<1x4097x128xf32, #tpu.memory_space<vmem>>, %arg2: memref<1x8x128xi32, #tpu.memory_space<vmem>>, %arg3: memref<1x8x128xf32, #tpu.memory_space<vmem>>) attributes {dimension_semantics = [#tpu.dimension_semantics<arbitrary>], iteration_bounds = array<i64: 64>, scalar_prefetch = 0 : i64, scratch_operands = 0 : i64, tpu.core_type = #tpu.core_type<tc>, window_params = [{transform_indices = @transform_0, window_bounds = array<i64: 1, 4097, 128>}, {transform_indices = @transform_1, window_bounds = array<i64: 1, 8, 128>}, {transform_indices = @transform_2, window_bounds = array<i64: 1, 8, 128>}]} {
    %get3A = arith.constant 0 : index
    %get3A_0 = arith.constant 0 : index
    %get3A_1 = arith.constant 0 : index
    %get3A_2 = vector.load %arg1[%get3A, %get3A_0, %get3A_1] : memref<1x4097x128xf32, #tpu.memory_space<vmem>>, vector<1x4097x128xf32>
    %get3A_3 = vector.shape_cast %get3A_2 : vector<1x4097x128xf32> to vector<4097x128xf32>
    %mul3A = arith.mulf %get3A_3, %get3A_3 : vector<4097x128xf32>
    %roll3A = arith.constant 127 : i32
    %roll3A_4 = tpu.dynamic_rotate %mul3A by %roll3A dim 1 : vector<4097x128xf32>, i32 -> vector<4097x128xf32>
    %add3A = arith.addf %mul3A, %roll3A_4 : vector<4097x128xf32>
    %iota3A = tpu.iota {dimensions = array<i32: 0>} : vector<4097x128xi32>
    %iota3A_5 = tpu.iota {dimensions = array<i32: 1>} : vector<1x128xi32>
    %and3A = arith.constant 1 : i32
    %and3A_6 = vector.broadcast %and3A : i32 to vector<1x128xi32>
    %and3A_7 = arith.andi %iota3A_5, %and3A_6 : vector<1x128xi32>
    %eq3A = arith.constant 1 : i32
    %eq3A_8 = vector.broadcast %eq3A : i32 to vector<1x128xi32>
    %eq3A_9 = arith.cmpi eq, %and3A_7, %eq3A_8 : vector<1x128xi32>
    %reduce_max3A = arith.constant dense<0xFF800000> : vector<128xf32>
    %reduce_max3A_10 = vector.multi_reduction <maximumf>, %add3A, %reduce_max3A [0] : vector<4097x128xf32> to vector<128xf32>
    %broadcast_in_dim3A = vector.shape_cast %reduce_max3A_10 : vector<128xf32> to vector<1x128xf32>
    %eq3A_11 = vector.broadcast %broadcast_in_dim3A : vector<1x128xf32> to vector<4097x128xf32>
    %eq3A_12 = arith.cmpf oeq, %add3A, %eq3A_11 : vector<4097x128xf32>
    %jit3A = arith.constant 4098 : i32
    %broadcast_in_dim3A_13 = vector.broadcast %jit3A : i32 to vector<4097x128xi32>
    %select_n3A = arith.select %eq3A_12, %iota3A, %broadcast_in_dim3A_13 : vector<4097x128xi1>, vector<4097x128xi32>
    %reduce_min3A = arith.constant dense<2147483647> : vector<128xi32>
    %reduce_min3A_14 = vector.multi_reduction <minsi>, %select_n3A, %reduce_min3A [0] : vector<4097x128xi32> to vector<128xi32>
    %broadcast_in_dim3A_15 = vector.shape_cast %reduce_min3A_14 : vector<128xi32> to vector<1x128xi32>
    %roll3A_16 = arith.constant 1 : i32
    %roll3A_17 = tpu.dynamic_rotate %broadcast_in_dim3A_15 by %roll3A_16 dim 1 : vector<1x128xi32>, i32 -> vector<1x128xi32>
    %select_n3A_18 = arith.select %eq3A_9, %roll3A_17, %broadcast_in_dim3A_15 : vector<1x128xi1>, vector<1x128xi32>
    %eq3A_19 = vector.broadcast %select_n3A_18 : vector<1x128xi32> to vector<4097x128xi32>
    %eq3A_20 = arith.cmpi eq, %iota3A, %eq3A_19 : vector<4097x128xi32>
    %jit3A_21 = arith.constant 0.000000e+00 : f32
    %broadcast_in_dim3A_22 = vector.broadcast %jit3A_21 : f32 to vector<4097x128xf32>
    %select_n3A_23 = arith.select %eq3A_20, %get3A_3, %broadcast_in_dim3A_22 : vector<4097x128xi1>, vector<4097x128xf32>
    %reduce_sum3A = arith.constant dense<0.000000e+00> : vector<128xf32>
    %reduce_sum3A_24 = vector.multi_reduction <add>, %select_n3A_23, %reduce_sum3A [0] : vector<4097x128xf32> to vector<128xf32>
    %broadcast_in_dim3A_25 = vector.shape_cast %reduce_sum3A_24 : vector<128xf32> to vector<1x128xf32>
    %eq3A_26 = arith.constant 0 : i32
    %eq3A_27 = vector.broadcast %eq3A_26 : i32 to vector<1x128xi32>
    %eq3A_28 = arith.cmpi eq, %select_n3A_18, %eq3A_27 : vector<1x128xi32>
    %eq3A_29 = arith.constant 4096 : i32
    %eq3A_30 = vector.broadcast %eq3A_29 : i32 to vector<1x128xi32>
    %eq3A_31 = arith.cmpi eq, %select_n3A_18, %eq3A_30 : vector<1x128xi32>
    %or3A = arith.ori %eq3A_28, %eq3A_31 : vector<1x128xi1>
    %jit3A_32 = arith.constant 1.22070313E-4 : f32
    %jit3A_33 = arith.constant 2.44140625E-4 : f32
    %broadcast_in_dim3A_34 = vector.broadcast %jit3A_32 : f32 to vector<1x128xf32>
    %broadcast_in_dim3A_35 = vector.broadcast %jit3A_33 : f32 to vector<1x128xf32>
    %select_n3A_36 = arith.select %or3A, %broadcast_in_dim3A_34, %broadcast_in_dim3A_35 : vector<1x128xi1>, vector<1x128xf32>
    %swap3A = arith.constant 0 : index
    %swap3A_37 = arith.constant 0 : index
    %swap3A_38 = arith.constant 0 : index
    %swap3A_39 = vector.load %arg2[%swap3A, %swap3A_37, %swap3A_38] : memref<1x8x128xi32, #tpu.memory_space<vmem>>, vector<1x1x128xi32>
    %swap3A_40 = vector.shape_cast %swap3A_39 : vector<1x1x128xi32> to vector<1x128xi32>
    %swap3A_41 = vector.shape_cast %select_n3A_18 : vector<1x128xi32> to vector<1x1x128xi32>
    tpu.vector_store %arg2[%swap3A, %swap3A_37, %swap3A_38], %swap3A_41 {strides = array<i32>} : memref<1x8x128xi32, #tpu.memory_space<vmem>>, vector<1x1x128xi32>,
    %mul3A_42 = arith.mulf %broadcast_in_dim3A_25, %select_n3A_36 : vector<1x128xf32>
    %swap3A_43 = arith.constant 0 : index
    %swap3A_44 = arith.constant 0 : index
    %swap3A_45 = arith.constant 0 : index
    %swap3A_46 = vector.load %arg3[%swap3A_43, %swap3A_44, %swap3A_45] : memref<1x8x128xf32, #tpu.memory_space<vmem>>, vector<1x1x128xf32>
    %swap3A_47 = vector.shape_cast %swap3A_46 : vector<1x1x128xf32> to vector<1x128xf32>
    %swap3A_48 = vector.shape_cast %mul3A_42 : vector<1x128xf32> to vector<1x1x128xf32>
    tpu.vector_store %arg3[%swap3A_43, %swap3A_44, %swap3A_45], %swap3A_48 {strides = array<i32>} : memref<1x8x128xf32, #tpu.memory_space<vmem>>, vector<1x1x128xf32>,
    %jit3A_49 = arith.constant -1.000000e+00 : f32
    %broadcast_in_dim3A_50 = vector.broadcast %jit3A_49 : f32 to vector<4097x128xf32>
    %select_n3A_51 = arith.select %eq3A_20, %broadcast_in_dim3A_50, %add3A : vector<4097x128xi1>, vector<4097x128xf32>
    %reduce_max3A_52 = arith.constant dense<0xFF800000> : vector<128xf32>
    %reduce_max3A_53 = vector.multi_reduction <maximumf>, %select_n3A_51, %reduce_max3A_52 [0] : vector<4097x128xf32> to vector<128xf32>
    %broadcast_in_dim3A_54 = vector.shape_cast %reduce_max3A_53 : vector<128xf32> to vector<1x128xf32>
    %eq3A_55 = vector.broadcast %broadcast_in_dim3A_54 : vector<1x128xf32> to vector<4097x128xf32>
    %eq3A_56 = arith.cmpf oeq, %select_n3A_51, %eq3A_55 : vector<4097x128xf32>
    %jit3A_57 = arith.constant 4098 : i32
    %broadcast_in_dim3A_58 = vector.broadcast %jit3A_57 : i32 to vector<4097x128xi32>
    %select_n3A_59 = arith.select %eq3A_56, %iota3A, %broadcast_in_dim3A_58 : vector<4097x128xi1>, vector<4097x128xi32>
    %reduce_min3A_60 = arith.constant dense<2147483647> : vector<128xi32>
    %reduce_min3A_61 = vector.multi_reduction <minsi>, %select_n3A_59, %reduce_min3A_60 [0] : vector<4097x128xi32> to vector<128xi32>
    %broadcast_in_dim3A_62 = vector.shape_cast %reduce_min3A_61 : vector<128xi32> to vector<1x128xi32>
    %roll3A_63 = arith.constant 1 : i32
    %roll3A_64 = tpu.dynamic_rotate %broadcast_in_dim3A_62 by %roll3A_63 dim 1 : vector<1x128xi32>, i32 -> vector<1x128xi32>
    %select_n3A_65 = arith.select %eq3A_9, %roll3A_64, %broadcast_in_dim3A_62 : vector<1x128xi1>, vector<1x128xi32>
    %eq3A_66 = vector.broadcast %select_n3A_65 : vector<1x128xi32> to vector<4097x128xi32>
    %eq3A_67 = arith.cmpi eq, %iota3A, %eq3A_66 : vector<4097x128xi32>
    %jit3A_68 = arith.constant 0.000000e+00 : f32
    %broadcast_in_dim3A_69 = vector.broadcast %jit3A_68 : f32 to vector<4097x128xf32>
    %select_n3A_70 = arith.select %eq3A_67, %get3A_3, %broadcast_in_dim3A_69 : vector<4097x128xi1>, vector<4097x128xf32>
    %reduce_sum3A_71 = arith.constant dense<0.000000e+00> : vector<128xf32>
    %reduce_sum3A_72 = vector.multi_reduction <add>, %select_n3A_70, %reduce_sum3A_71 [0] : vector<4097x128xf32> to vector<128xf32>
    %broadcast_in_dim3A_73 = vector.shape_cast %reduce_sum3A_72 : vector<128xf32> to vector<1x128xf32>
    %eq3A_74 = arith.constant 0 : i32
    %eq3A_75 = vector.broadcast %eq3A_74 : i32 to vector<1x128xi32>
    %eq3A_76 = arith.cmpi eq, %select_n3A_65, %eq3A_75 : vector<1x128xi32>
    %eq3A_77 = arith.constant 4096 : i32
    %eq3A_78 = vector.broadcast %eq3A_77 : i32 to vector<1x128xi32>
    %eq3A_79 = arith.cmpi eq, %select_n3A_65, %eq3A_78 : vector<1x128xi32>
    %or3A_80 = arith.ori %eq3A_76, %eq3A_79 : vector<1x128xi1>
    %jit3A_81 = arith.constant 1.22070313E-4 : f32
    %jit3A_82 = arith.constant 2.44140625E-4 : f32
    %broadcast_in_dim3A_83 = vector.broadcast %jit3A_81 : f32 to vector<1x128xf32>
    %broadcast_in_dim3A_84 = vector.broadcast %jit3A_82 : f32 to vector<1x128xf32>
    %select_n3A_85 = arith.select %or3A_80, %broadcast_in_dim3A_83, %broadcast_in_dim3A_84 : vector<1x128xi1>, vector<1x128xf32>
    %swap3A_86 = arith.constant 0 : index
    %swap3A_87 = arith.constant 1 : index
    %swap3A_88 = arith.constant 0 : index
    %swap3A_89 = vector.load %arg2[%swap3A_86, %swap3A_87, %swap3A_88] : memref<1x8x128xi32, #tpu.memory_space<vmem>>, vector<1x1x128xi32>
    %swap3A_90 = vector.shape_cast %swap3A_89 : vector<1x1x128xi32> to vector<1x128xi32>
    %swap3A_91 = vector.shape_cast %select_n3A_65 : vector<1x128xi32> to vector<1x1x128xi32>
    tpu.vector_store %arg2[%swap3A_86, %swap3A_87, %swap3A_88], %swap3A_91 {strides = array<i32>} : memref<1x8x128xi32, #tpu.memory_space<vmem>>, vector<1x1x128xi32>,
    %mul3A_92 = arith.mulf %broadcast_in_dim3A_73, %select_n3A_85 : vector<1x128xf32>
    %swap3A_93 = arith.constant 0 : index
    %swap3A_94 = arith.constant 1 : index
    %swap3A_95 = arith.constant 0 : index
    %swap3A_96 = vector.load %arg3[%swap3A_93, %swap3A_94, %swap3A_95] : memref<1x8x128xf32, #tpu.memory_space<vmem>>, vector<1x1x128xf32>
    %swap3A_97 = vector.shape_cast %swap3A_96 : vector<1x1x128xf32> to vector<1x128xf32>
    %swap3A_98 = vector.shape_cast %mul3A_92 : vector<1x128xf32> to vector<1x1x128xf32>
    tpu.vector_store %arg3[%swap3A_93, %swap3A_94, %swap3A_95], %swap3A_98 {strides = array<i32>} : memref<1x8x128xf32, #tpu.memory_space<vmem>>, vector<1x1x128xf32>,
    %jit3A_99 = arith.constant -1.000000e+00 : f32
    %broadcast_in_dim3A_100 = vector.broadcast %jit3A_99 : f32 to vector<4097x128xf32>
    %select_n3A_101 = arith.select %eq3A_67, %broadcast_in_dim3A_100, %select_n3A_51 : vector<4097x128xi1>, vector<4097x128xf32>
    %reduce_max3A_102 = arith.constant dense<0xFF800000> : vector<128xf32>
    %reduce_max3A_103 = vector.multi_reduction <maximumf>, %select_n3A_101, %reduce_max3A_102 [0] : vector<4097x128xf32> to vector<128xf32>
    %broadcast_in_dim3A_104 = vector.shape_cast %reduce_max3A_103 : vector<128xf32> to vector<1x128xf32>
    %eq3A_105 = vector.broadcast %broadcast_in_dim3A_104 : vector<1x128xf32> to vector<4097x128xf32>
    %eq3A_106 = arith.cmpf oeq, %select_n3A_101, %eq3A_105 : vector<4097x128xf32>
    %jit3A_107 = arith.constant 4098 : i32
    %broadcast_in_dim3A_108 = vector.broadcast %jit3A_107 : i32 to vector<4097x128xi32>
    %select_n3A_109 = arith.select %eq3A_106, %iota3A, %broadcast_in_dim3A_108 : vector<4097x128xi1>, vector<4097x128xi32>
    %reduce_min3A_110 = arith.constant dense<2147483647> : vector<128xi32>
    %reduce_min3A_111 = vector.multi_reduction <minsi>, %select_n3A_109, %reduce_min3A_110 [0] : vector<4097x128xi32> to vector<128xi32>
    %broadcast_in_dim3A_112 = vector.shape_cast %reduce_min3A_111 : vector<128xi32> to vector<1x128xi32>
    %roll3A_113 = arith.constant 1 : i32
    %roll3A_114 = tpu.dynamic_rotate %broadcast_in_dim3A_112 by %roll3A_113 dim 1 : vector<1x128xi32>, i32 -> vector<1x128xi32>
    %select_n3A_115 = arith.select %eq3A_9, %roll3A_114, %broadcast_in_dim3A_112 : vector<1x128xi1>, vector<1x128xi32>
    %eq3A_116 = vector.broadcast %select_n3A_115 : vector<1x128xi32> to vector<4097x128xi32>
    %eq3A_117 = arith.cmpi eq, %iota3A, %eq3A_116 : vector<4097x128xi32>
    %jit3A_118 = arith.constant 0.000000e+00 : f32
    %broadcast_in_dim3A_119 = vector.broadcast %jit3A_118 : f32 to vector<4097x128xf32>
    %select_n3A_120 = arith.select %eq3A_117, %get3A_3, %broadcast_in_dim3A_119 : vector<4097x128xi1>, vector<4097x128xf32>
    %reduce_sum3A_121 = arith.constant dense<0.000000e+00> : vector<128xf32>
    %reduce_sum3A_122 = vector.multi_reduction <add>, %select_n3A_120, %reduce_sum3A_121 [0] : vector<4097x128xf32> to vector<128xf32>
    %broadcast_in_dim3A_123 = vector.shape_cast %reduce_sum3A_122 : vector<128xf32> to vector<1x128xf32>
    %eq3A_124 = arith.constant 0 : i32
    %eq3A_125 = vector.broadcast %eq3A_124 : i32 to vector<1x128xi32>
    %eq3A_126 = arith.cmpi eq, %select_n3A_115, %eq3A_125 : vector<1x128xi32>
    %eq3A_127 = arith.constant 4096 : i32
    %eq3A_128 = vector.broadcast %eq3A_127 : i32 to vector<1x128xi32>
    %eq3A_129 = arith.cmpi eq, %select_n3A_115, %eq3A_128 : vector<1x128xi32>
    %or3A_130 = arith.ori %eq3A_126, %eq3A_129 : vector<1x128xi1>
    %jit3A_131 = arith.constant 1.22070313E-4 : f32
    %jit3A_132 = arith.constant 2.44140625E-4 : f32
    %broadcast_in_dim3A_133 = vector.broadcast %jit3A_131 : f32 to vector<1x128xf32>
    %broadcast_in_dim3A_134 = vector.broadcast %jit3A_132 : f32 to vector<1x128xf32>
    %select_n3A_135 = arith.select %or3A_130, %broadcast_in_dim3A_133, %broadcast_in_dim3A_134 : vector<1x128xi1>, vector<1x128xf32>
    %swap3A_136 = arith.constant 0 : index
    %swap3A_137 = arith.constant 2 : index
    %swap3A_138 = arith.constant 0 : index
    %swap3A_139 = vector.load %arg2[%swap3A_136, %swap3A_137, %swap3A_138] : memref<1x8x128xi32, #tpu.memory_space<vmem>>, vector<1x1x128xi32>
    %swap3A_140 = vector.shape_cast %swap3A_139 : vector<1x1x128xi32> to vector<1x128xi32>
    %swap3A_141 = vector.shape_cast %select_n3A_115 : vector<1x128xi32> to vector<1x1x128xi32>
    tpu.vector_store %arg2[%swap3A_136, %swap3A_137, %swap3A_138], %swap3A_141 {strides = array<i32>} : memref<1x8x128xi32, #tpu.memory_space<vmem>>, vector<1x1x128xi32>,
    %mul3A_142 = arith.mulf %broadcast_in_dim3A_123, %select_n3A_135 : vector<1x128xf32>
    %swap3A_143 = arith.constant 0 : index
    %swap3A_144 = arith.constant 2 : index
    %swap3A_145 = arith.constant 0 : index
    %swap3A_146 = vector.load %arg3[%swap3A_143, %swap3A_144, %swap3A_145] : memref<1x8x128xf32, #tpu.memory_space<vmem>>, vector<1x1x128xf32>
    %swap3A_147 = vector.shape_cast %swap3A_146 : vector<1x1x128xf32> to vector<1x128xf32>
    %swap3A_148 = vector.shape_cast %mul3A_142 : vector<1x128xf32> to vector<1x1x128xf32>
    tpu.vector_store %arg3[%swap3A_143, %swap3A_144, %swap3A_145], %swap3A_148 {strides = array<i32>} : memref<1x8x128xf32, #tpu.memory_space<vmem>>, vector<1x1x128xf32>,
    %jit3A_149 = arith.constant -1.000000e+00 : f32
    %broadcast_in_dim3A_150 = vector.broadcast %jit3A_149 : f32 to vector<4097x128xf32>
    %select_n3A_151 = arith.select %eq3A_117, %broadcast_in_dim3A_150, %select_n3A_101 : vector<4097x128xi1>, vector<4097x128xf32>
    %reduce_max3A_152 = arith.constant dense<0xFF800000> : vector<128xf32>
    %reduce_max3A_153 = vector.multi_reduction <maximumf>, %select_n3A_151, %reduce_max3A_152 [0] : vector<4097x128xf32> to vector<128xf32>
    %broadcast_in_dim3A_154 = vector.shape_cast %reduce_max3A_153 : vector<128xf32> to vector<1x128xf32>
    %eq3A_155 = vector.broadcast %broadcast_in_dim3A_154 : vector<1x128xf32> to vector<4097x128xf32>
    %eq3A_156 = arith.cmpf oeq, %select_n3A_151, %eq3A_155 : vector<4097x128xf32>
    %jit3A_157 = arith.constant 4098 : i32
    %broadcast_in_dim3A_158 = vector.broadcast %jit3A_157 : i32 to vector<4097x128xi32>
    %select_n3A_159 = arith.select %eq3A_156, %iota3A, %broadcast_in_dim3A_158 : vector<4097x128xi1>, vector<4097x128xi32>
    %reduce_min3A_160 = arith.constant dense<2147483647> : vector<128xi32>
    %reduce_min3A_161 = vector.multi_reduction <minsi>, %select_n3A_159, %reduce_min3A_160 [0] : vector<4097x128xi32> to vector<128xi32>
    %broadcast_in_dim3A_162 = vector.shape_cast %reduce_min3A_161 : vector<128xi32> to vector<1x128xi32>
    %roll3A_163 = arith.constant 1 : i32
    %roll3A_164 = tpu.dynamic_rotate %broadcast_in_dim3A_162 by %roll3A_163 dim 1 : vector<1x128xi32>, i32 -> vector<1x128xi32>
    %select_n3A_165 = arith.select %eq3A_9, %roll3A_164, %broadcast_in_dim3A_162 : vector<1x128xi1>, vector<1x128xi32>
    %eq3A_166 = vector.broadcast %select_n3A_165 : vector<1x128xi32> to vector<4097x128xi32>
    %eq3A_167 = arith.cmpi eq, %iota3A, %eq3A_166 : vector<4097x128xi32>
    %jit3A_168 = arith.constant 0.000000e+00 : f32
    %broadcast_in_dim3A_169 = vector.broadcast %jit3A_168 : f32 to vector<4097x128xf32>
    %select_n3A_170 = arith.select %eq3A_167, %get3A_3, %broadcast_in_dim3A_169 : vector<4097x128xi1>, vector<4097x128xf32>
    %reduce_sum3A_171 = arith.constant dense<0.000000e+00> : vector<128xf32>
    %reduce_sum3A_172 = vector.multi_reduction <add>, %select_n3A_170, %reduce_sum3A_171 [0] : vector<4097x128xf32> to vector<128xf32>
    %broadcast_in_dim3A_173 = vector.shape_cast %reduce_sum3A_172 : vector<128xf32> to vector<1x128xf32>
    %eq3A_174 = arith.constant 0 : i32
    %eq3A_175 = vector.broadcast %eq3A_174 : i32 to vector<1x128xi32>
    %eq3A_176 = arith.cmpi eq, %select_n3A_165, %eq3A_175 : vector<1x128xi32>
    %eq3A_177 = arith.constant 4096 : i32
    %eq3A_178 = vector.broadcast %eq3A_177 : i32 to vector<1x128xi32>
    %eq3A_179 = arith.cmpi eq, %select_n3A_165, %eq3A_178 : vector<1x128xi32>
    %or3A_180 = arith.ori %eq3A_176, %eq3A_179 : vector<1x128xi1>
    %jit3A_181 = arith.constant 1.22070313E-4 : f32
    %jit3A_182 = arith.constant 2.44140625E-4 : f32
    %broadcast_in_dim3A_183 = vector.broadcast %jit3A_181 : f32 to vector<1x128xf32>
    %broadcast_in_dim3A_184 = vector.broadcast %jit3A_182 : f32 to vector<1x128xf32>
    %select_n3A_185 = arith.select %or3A_180, %broadcast_in_dim3A_183, %broadcast_in_dim3A_184 : vector<1x128xi1>, vector<1x128xf32>
    %swap3A_186 = arith.constant 0 : index
    %swap3A_187 = arith.constant 3 : index
    %swap3A_188 = arith.constant 0 : index
    %swap3A_189 = vector.load %arg2[%swap3A_186, %swap3A_187, %swap3A_188] : memref<1x8x128xi32, #tpu.memory_space<vmem>>, vector<1x1x128xi32>
    %swap3A_190 = vector.shape_cast %swap3A_189 : vector<1x1x128xi32> to vector<1x128xi32>
    %swap3A_191 = vector.shape_cast %select_n3A_165 : vector<1x128xi32> to vector<1x1x128xi32>
    tpu.vector_store %arg2[%swap3A_186, %swap3A_187, %swap3A_188], %swap3A_191 {strides = array<i32>} : memref<1x8x128xi32, #tpu.memory_space<vmem>>, vector<1x1x128xi32>,
    %mul3A_192 = arith.mulf %broadcast_in_dim3A_173, %select_n3A_185 : vector<1x128xf32>
    %swap3A_193 = arith.constant 0 : index
    %swap3A_194 = arith.constant 3 : index
    %swap3A_195 = arith.constant 0 : index
    %swap3A_196 = vector.load %arg3[%swap3A_193, %swap3A_194, %swap3A_195] : memref<1x8x128xf32, #tpu.memory_space<vmem>>, vector<1x1x128xf32>
    %swap3A_197 = vector.shape_cast %swap3A_196 : vector<1x1x128xf32> to vector<1x128xf32>
    %swap3A_198 = vector.shape_cast %mul3A_192 : vector<1x128xf32> to vector<1x1x128xf32>
    tpu.vector_store %arg3[%swap3A_193, %swap3A_194, %swap3A_195], %swap3A_198 {strides = array<i32>} : memref<1x8x128xf32, #tpu.memory_space<vmem>>, vector<1x1x128xf32>,
    %jit3A_199 = arith.constant -1.000000e+00 : f32
    %broadcast_in_dim3A_200 = vector.broadcast %jit3A_199 : f32 to vector<4097x128xf32>
    %select_n3A_201 = arith.select %eq3A_167, %broadcast_in_dim3A_200, %select_n3A_151 : vector<4097x128xi1>, vector<4097x128xf32>
    %reduce_max3A_202 = arith.constant dense<0xFF800000> : vector<128xf32>
    %reduce_max3A_203 = vector.multi_reduction <maximumf>, %select_n3A_201, %reduce_max3A_202 [0] : vector<4097x128xf32> to vector<128xf32>
    %broadcast_in_dim3A_204 = vector.shape_cast %reduce_max3A_203 : vector<128xf32> to vector<1x128xf32>
    %eq3A_205 = vector.broadcast %broadcast_in_dim3A_204 : vector<1x128xf32> to vector<4097x128xf32>
    %eq3A_206 = arith.cmpf oeq, %select_n3A_201, %eq3A_205 : vector<4097x128xf32>
    %jit3A_207 = arith.constant 4098 : i32
    %broadcast_in_dim3A_208 = vector.broadcast %jit3A_207 : i32 to vector<4097x128xi32>
    %select_n3A_209 = arith.select %eq3A_206, %iota3A, %broadcast_in_dim3A_208 : vector<4097x128xi1>, vector<4097x128xi32>
    %reduce_min3A_210 = arith.constant dense<2147483647> : vector<128xi32>
    %reduce_min3A_211 = vector.multi_reduction <minsi>, %select_n3A_209, %reduce_min3A_210 [0] : vector<4097x128xi32> to vector<128xi32>
    %broadcast_in_dim3A_212 = vector.shape_cast %reduce_min3A_211 : vector<128xi32> to vector<1x128xi32>
    %roll3A_213 = arith.constant 1 : i32
    %roll3A_214 = tpu.dynamic_rotate %broadcast_in_dim3A_212 by %roll3A_213 dim 1 : vector<1x128xi32>, i32 -> vector<1x128xi32>
    %select_n3A_215 = arith.select %eq3A_9, %roll3A_214, %broadcast_in_dim3A_212 : vector<1x128xi1>, vector<1x128xi32>
    %eq3A_216 = vector.broadcast %select_n3A_215 : vector<1x128xi32> to vector<4097x128xi32>
    %eq3A_217 = arith.cmpi eq, %iota3A, %eq3A_216 : vector<4097x128xi32>
    %jit3A_218 = arith.constant 0.000000e+00 : f32
    %broadcast_in_dim3A_219 = vector.broadcast %jit3A_218 : f32 to vector<4097x128xf32>
    %select_n3A_220 = arith.select %eq3A_217, %get3A_3, %broadcast_in_dim3A_219 : vector<4097x128xi1>, vector<4097x128xf32>
    %reduce_sum3A_221 = arith.constant dense<0.000000e+00> : vector<128xf32>
    %reduce_sum3A_222 = vector.multi_reduction <add>, %select_n3A_220, %reduce_sum3A_221 [0] : vector<4097x128xf32> to vector<128xf32>
    %broadcast_in_dim3A_223 = vector.shape_cast %reduce_sum3A_222 : vector<128xf32> to vector<1x128xf32>
    %eq3A_224 = arith.constant 0 : i32
    %eq3A_225 = vector.broadcast %eq3A_224 : i32 to vector<1x128xi32>
    %eq3A_226 = arith.cmpi eq, %select_n3A_215, %eq3A_225 : vector<1x128xi32>
    %eq3A_227 = arith.constant 4096 : i32
    %eq3A_228 = vector.broadcast %eq3A_227 : i32 to vector<1x128xi32>
    %eq3A_229 = arith.cmpi eq, %select_n3A_215, %eq3A_228 : vector<1x128xi32>
    %or3A_230 = arith.ori %eq3A_226, %eq3A_229 : vector<1x128xi1>
    %jit3A_231 = arith.constant 1.22070313E-4 : f32
    %jit3A_232 = arith.constant 2.44140625E-4 : f32
    %broadcast_in_dim3A_233 = vector.broadcast %jit3A_231 : f32 to vector<1x128xf32>
    %broadcast_in_dim3A_234 = vector.broadcast %jit3A_232 : f32 to vector<1x128xf32>
    %select_n3A_235 = arith.select %or3A_230, %broadcast_in_dim3A_233, %broadcast_in_dim3A_234 : vector<1x128xi1>, vector<1x128xf32>
    %swap3A_236 = arith.constant 0 : index
    %swap3A_237 = arith.constant 4 : index
    %swap3A_238 = arith.constant 0 : index
    %swap3A_239 = vector.load %arg2[%swap3A_236, %swap3A_237, %swap3A_238] : memref<1x8x128xi32, #tpu.memory_space<vmem>>, vector<1x1x128xi32>
    %swap3A_240 = vector.shape_cast %swap3A_239 : vector<1x1x128xi32> to vector<1x128xi32>
    %swap3A_241 = vector.shape_cast %select_n3A_215 : vector<1x128xi32> to vector<1x1x128xi32>
    tpu.vector_store %arg2[%swap3A_236, %swap3A_237, %swap3A_238], %swap3A_241 {strides = array<i32>} : memref<1x8x128xi32, #tpu.memory_space<vmem>>, vector<1x1x128xi32>,
    %mul3A_242 = arith.mulf %broadcast_in_dim3A_223, %select_n3A_235 : vector<1x128xf32>
    %swap3A_243 = arith.constant 0 : index
    %swap3A_244 = arith.constant 4 : index
    %swap3A_245 = arith.constant 0 : index
    %swap3A_246 = vector.load %arg3[%swap3A_243, %swap3A_244, %swap3A_245] : memref<1x8x128xf32, #tpu.memory_space<vmem>>, vector<1x1x128xf32>
    %swap3A_247 = vector.shape_cast %swap3A_246 : vector<1x1x128xf32> to vector<1x128xf32>
    %swap3A_248 = vector.shape_cast %mul3A_242 : vector<1x128xf32> to vector<1x1x128xf32>
    tpu.vector_store %arg3[%swap3A_243, %swap3A_244, %swap3A_245], %swap3A_248 {strides = array<i32>} : memref<1x8x128xf32, #tpu.memory_space<vmem>>, vector<1x1x128xf32>,
    %jit3A_249 = arith.constant -1.000000e+00 : f32
    %broadcast_in_dim3A_250 = vector.broadcast %jit3A_249 : f32 to vector<4097x128xf32>
    %select_n3A_251 = arith.select %eq3A_217, %broadcast_in_dim3A_250, %select_n3A_201 : vector<4097x128xi1>, vector<4097x128xf32>
    %reduce_max3A_252 = arith.constant dense<0xFF800000> : vector<128xf32>
    %reduce_max3A_253 = vector.multi_reduction <maximumf>, %select_n3A_251, %reduce_max3A_252 [0] : vector<4097x128xf32> to vector<128xf32>
    %broadcast_in_dim3A_254 = vector.shape_cast %reduce_max3A_253 : vector<128xf32> to vector<1x128xf32>
    %eq3A_255 = vector.broadcast %broadcast_in_dim3A_254 : vector<1x128xf32> to vector<4097x128xf32>
    %eq3A_256 = arith.cmpf oeq, %select_n3A_251, %eq3A_255 : vector<4097x128xf32>
    %jit3A_257 = arith.constant 4098 : i32
    %broadcast_in_dim3A_258 = vector.broadcast %jit3A_257 : i32 to vector<4097x128xi32>
    %select_n3A_259 = arith.select %eq3A_256, %iota3A, %broadcast_in_dim3A_258 : vector<4097x128xi1>, vector<4097x128xi32>
    %reduce_min3A_260 = arith.constant dense<2147483647> : vector<128xi32>
    %reduce_min3A_261 = vector.multi_reduction <minsi>, %select_n3A_259, %reduce_min3A_260 [0] : vector<4097x128xi32> to vector<128xi32>
    %broadcast_in_dim3A_262 = vector.shape_cast %reduce_min3A_261 : vector<128xi32> to vector<1x128xi32>
    %roll3A_263 = arith.constant 1 : i32
    %roll3A_264 = tpu.dynamic_rotate %broadcast_in_dim3A_262 by %roll3A_263 dim 1 : vector<1x128xi32>, i32 -> vector<1x128xi32>
    %select_n3A_265 = arith.select %eq3A_9, %roll3A_264, %broadcast_in_dim3A_262 : vector<1x128xi1>, vector<1x128xi32>
    %eq3A_266 = vector.broadcast %select_n3A_265 : vector<1x128xi32> to vector<4097x128xi32>
    %eq3A_267 = arith.cmpi eq, %iota3A, %eq3A_266 : vector<4097x128xi32>
    %jit3A_268 = arith.constant 0.000000e+00 : f32
    %broadcast_in_dim3A_269 = vector.broadcast %jit3A_268 : f32 to vector<4097x128xf32>
    %select_n3A_270 = arith.select %eq3A_267, %get3A_3, %broadcast_in_dim3A_269 : vector<4097x128xi1>, vector<4097x128xf32>
    %reduce_sum3A_271 = arith.constant dense<0.000000e+00> : vector<128xf32>
    %reduce_sum3A_272 = vector.multi_reduction <add>, %select_n3A_270, %reduce_sum3A_271 [0] : vector<4097x128xf32> to vector<128xf32>
    %broadcast_in_dim3A_273 = vector.shape_cast %reduce_sum3A_272 : vector<128xf32> to vector<1x128xf32>
    %eq3A_274 = arith.constant 0 : i32
    %eq3A_275 = vector.broadcast %eq3A_274 : i32 to vector<1x128xi32>
    %eq3A_276 = arith.cmpi eq, %select_n3A_265, %eq3A_275 : vector<1x128xi32>
    %eq3A_277 = arith.constant 4096 : i32
    %eq3A_278 = vector.broadcast %eq3A_277 : i32 to vector<1x128xi32>
    %eq3A_279 = arith.cmpi eq, %select_n3A_265, %eq3A_278 : vector<1x128xi32>
    %or3A_280 = arith.ori %eq3A_276, %eq3A_279 : vector<1x128xi1>
    %jit3A_281 = arith.constant 1.22070313E-4 : f32
    %jit3A_282 = arith.constant 2.44140625E-4 : f32
    %broadcast_in_dim3A_283 = vector.broadcast %jit3A_281 : f32 to vector<1x128xf32>
    %broadcast_in_dim3A_284 = vector.broadcast %jit3A_282 : f32 to vector<1x128xf32>
    %select_n3A_285 = arith.select %or3A_280, %broadcast_in_dim3A_283, %broadcast_in_dim3A_284 : vector<1x128xi1>, vector<1x128xf32>
    %swap3A_286 = arith.constant 0 : index
    %swap3A_287 = arith.constant 5 : index
    %swap3A_288 = arith.constant 0 : index
    %swap3A_289 = vector.load %arg2[%swap3A_286, %swap3A_287, %swap3A_288] : memref<1x8x128xi32, #tpu.memory_space<vmem>>, vector<1x1x128xi32>
    %swap3A_290 = vector.shape_cast %swap3A_289 : vector<1x1x128xi32> to vector<1x128xi32>
    %swap3A_291 = vector.shape_cast %select_n3A_265 : vector<1x128xi32> to vector<1x1x128xi32>
    tpu.vector_store %arg2[%swap3A_286, %swap3A_287, %swap3A_288], %swap3A_291 {strides = array<i32>} : memref<1x8x128xi32, #tpu.memory_space<vmem>>, vector<1x1x128xi32>,
    %mul3A_292 = arith.mulf %broadcast_in_dim3A_273, %select_n3A_285 : vector<1x128xf32>
    %swap3A_293 = arith.constant 0 : index
    %swap3A_294 = arith.constant 5 : index
    %swap3A_295 = arith.constant 0 : index
    %swap3A_296 = vector.load %arg3[%swap3A_293, %swap3A_294, %swap3A_295] : memref<1x8x128xf32, #tpu.memory_space<vmem>>, vector<1x1x128xf32>
    %swap3A_297 = vector.shape_cast %swap3A_296 : vector<1x1x128xf32> to vector<1x128xf32>
    %swap3A_298 = vector.shape_cast %mul3A_292 : vector<1x128xf32> to vector<1x1x128xf32>
    tpu.vector_store %arg3[%swap3A_293, %swap3A_294, %swap3A_295], %swap3A_298 {strides = array<i32>} : memref<1x8x128xf32, #tpu.memory_space<vmem>>, vector<1x1x128xf32>,
    %jit3A_299 = arith.constant -1.000000e+00 : f32
    %broadcast_in_dim3A_300 = vector.broadcast %jit3A_299 : f32 to vector<4097x128xf32>
    %select_n3A_301 = arith.select %eq3A_267, %broadcast_in_dim3A_300, %select_n3A_251 : vector<4097x128xi1>, vector<4097x128xf32>
    %reduce_max3A_302 = arith.constant dense<0xFF800000> : vector<128xf32>
    %reduce_max3A_303 = vector.multi_reduction <maximumf>, %select_n3A_301, %reduce_max3A_302 [0] : vector<4097x128xf32> to vector<128xf32>
    %broadcast_in_dim3A_304 = vector.shape_cast %reduce_max3A_303 : vector<128xf32> to vector<1x128xf32>
    %eq3A_305 = vector.broadcast %broadcast_in_dim3A_304 : vector<1x128xf32> to vector<4097x128xf32>
    %eq3A_306 = arith.cmpf oeq, %select_n3A_301, %eq3A_305 : vector<4097x128xf32>
    %jit3A_307 = arith.constant 4098 : i32
    %broadcast_in_dim3A_308 = vector.broadcast %jit3A_307 : i32 to vector<4097x128xi32>
    %select_n3A_309 = arith.select %eq3A_306, %iota3A, %broadcast_in_dim3A_308 : vector<4097x128xi1>, vector<4097x128xi32>
    %reduce_min3A_310 = arith.constant dense<2147483647> : vector<128xi32>
    %reduce_min3A_311 = vector.multi_reduction <minsi>, %select_n3A_309, %reduce_min3A_310 [0] : vector<4097x128xi32> to vector<128xi32>
    %broadcast_in_dim3A_312 = vector.shape_cast %reduce_min3A_311 : vector<128xi32> to vector<1x128xi32>
    %roll3A_313 = arith.constant 1 : i32
    %roll3A_314 = tpu.dynamic_rotate %broadcast_in_dim3A_312 by %roll3A_313 dim 1 : vector<1x128xi32>, i32 -> vector<1x128xi32>
    %select_n3A_315 = arith.select %eq3A_9, %roll3A_314, %broadcast_in_dim3A_312 : vector<1x128xi1>, vector<1x128xi32>
    %eq3A_316 = vector.broadcast %select_n3A_315 : vector<1x128xi32> to vector<4097x128xi32>
    %eq3A_317 = arith.cmpi eq, %iota3A, %eq3A_316 : vector<4097x128xi32>
    %jit3A_318 = arith.constant 0.000000e+00 : f32
    %broadcast_in_dim3A_319 = vector.broadcast %jit3A_318 : f32 to vector<4097x128xf32>
    %select_n3A_320 = arith.select %eq3A_317, %get3A_3, %broadcast_in_dim3A_319 : vector<4097x128xi1>, vector<4097x128xf32>
    %reduce_sum3A_321 = arith.constant dense<0.000000e+00> : vector<128xf32>
    %reduce_sum3A_322 = vector.multi_reduction <add>, %select_n3A_320, %reduce_sum3A_321 [0] : vector<4097x128xf32> to vector<128xf32>
    %broadcast_in_dim3A_323 = vector.shape_cast %reduce_sum3A_322 : vector<128xf32> to vector<1x128xf32>
    %eq3A_324 = arith.constant 0 : i32
    %eq3A_325 = vector.broadcast %eq3A_324 : i32 to vector<1x128xi32>
    %eq3A_326 = arith.cmpi eq, %select_n3A_315, %eq3A_325 : vector<1x128xi32>
    %eq3A_327 = arith.constant 4096 : i32
    %eq3A_328 = vector.broadcast %eq3A_327 : i32 to vector<1x128xi32>
    %eq3A_329 = arith.cmpi eq, %select_n3A_315, %eq3A_328 : vector<1x128xi32>
    %or3A_330 = arith.ori %eq3A_326, %eq3A_329 : vector<1x128xi1>
    %jit3A_331 = arith.constant 1.22070313E-4 : f32
    %jit3A_332 = arith.constant 2.44140625E-4 : f32
    %broadcast_in_dim3A_333 = vector.broadcast %jit3A_331 : f32 to vector<1x128xf32>
    %broadcast_in_dim3A_334 = vector.broadcast %jit3A_332 : f32 to vector<1x128xf32>
    %select_n3A_335 = arith.select %or3A_330, %broadcast_in_dim3A_333, %broadcast_in_dim3A_334 : vector<1x128xi1>, vector<1x128xf32>
    %swap3A_336 = arith.constant 0 : index
    %swap3A_337 = arith.constant 6 : index
    %swap3A_338 = arith.constant 0 : index
    %swap3A_339 = vector.load %arg2[%swap3A_336, %swap3A_337, %swap3A_338] : memref<1x8x128xi32, #tpu.memory_space<vmem>>, vector<1x1x128xi32>
    %swap3A_340 = vector.shape_cast %swap3A_339 : vector<1x1x128xi32> to vector<1x128xi32>
    %swap3A_341 = vector.shape_cast %select_n3A_315 : vector<1x128xi32> to vector<1x1x128xi32>
    tpu.vector_store %arg2[%swap3A_336, %swap3A_337, %swap3A_338], %swap3A_341 {strides = array<i32>} : memref<1x8x128xi32, #tpu.memory_space<vmem>>, vector<1x1x128xi32>,
    %mul3A_342 = arith.mulf %broadcast_in_dim3A_323, %select_n3A_335 : vector<1x128xf32>
    %swap3A_343 = arith.constant 0 : index
    %swap3A_344 = arith.constant 6 : index
    %swap3A_345 = arith.constant 0 : index
    %swap3A_346 = vector.load %arg3[%swap3A_343, %swap3A_344, %swap3A_345] : memref<1x8x128xf32, #tpu.memory_space<vmem>>, vector<1x1x128xf32>
    %swap3A_347 = vector.shape_cast %swap3A_346 : vector<1x1x128xf32> to vector<1x128xf32>
    %swap3A_348 = vector.shape_cast %mul3A_342 : vector<1x128xf32> to vector<1x1x128xf32>
    tpu.vector_store %arg3[%swap3A_343, %swap3A_344, %swap3A_345], %swap3A_348 {strides = array<i32>} : memref<1x8x128xf32, #tpu.memory_space<vmem>>, vector<1x1x128xf32>,
    %jit3A_349 = arith.constant -1.000000e+00 : f32
    %broadcast_in_dim3A_350 = vector.broadcast %jit3A_349 : f32 to vector<4097x128xf32>
    %select_n3A_351 = arith.select %eq3A_317, %broadcast_in_dim3A_350, %select_n3A_301 : vector<4097x128xi1>, vector<4097x128xf32>
    %reduce_max3A_352 = arith.constant dense<0xFF800000> : vector<128xf32>
    %reduce_max3A_353 = vector.multi_reduction <maximumf>, %select_n3A_351, %reduce_max3A_352 [0] : vector<4097x128xf32> to vector<128xf32>
    %broadcast_in_dim3A_354 = vector.shape_cast %reduce_max3A_353 : vector<128xf32> to vector<1x128xf32>
    %eq3A_355 = vector.broadcast %broadcast_in_dim3A_354 : vector<1x128xf32> to vector<4097x128xf32>
    %eq3A_356 = arith.cmpf oeq, %select_n3A_351, %eq3A_355 : vector<4097x128xf32>
    %jit3A_357 = arith.constant 4098 : i32
    %broadcast_in_dim3A_358 = vector.broadcast %jit3A_357 : i32 to vector<4097x128xi32>
    %select_n3A_359 = arith.select %eq3A_356, %iota3A, %broadcast_in_dim3A_358 : vector<4097x128xi1>, vector<4097x128xi32>
    %reduce_min3A_360 = arith.constant dense<2147483647> : vector<128xi32>
    %reduce_min3A_361 = vector.multi_reduction <minsi>, %select_n3A_359, %reduce_min3A_360 [0] : vector<4097x128xi32> to vector<128xi32>
    %broadcast_in_dim3A_362 = vector.shape_cast %reduce_min3A_361 : vector<128xi32> to vector<1x128xi32>
    %roll3A_363 = arith.constant 1 : i32
    %roll3A_364 = tpu.dynamic_rotate %broadcast_in_dim3A_362 by %roll3A_363 dim 1 : vector<1x128xi32>, i32 -> vector<1x128xi32>
    %select_n3A_365 = arith.select %eq3A_9, %roll3A_364, %broadcast_in_dim3A_362 : vector<1x128xi1>, vector<1x128xi32>
    %eq3A_366 = vector.broadcast %select_n3A_365 : vector<1x128xi32> to vector<4097x128xi32>
    %eq3A_367 = arith.cmpi eq, %iota3A, %eq3A_366 : vector<4097x128xi32>
    %jit3A_368 = arith.constant 0.000000e+00 : f32
    %broadcast_in_dim3A_369 = vector.broadcast %jit3A_368 : f32 to vector<4097x128xf32>
    %select_n3A_370 = arith.select %eq3A_367, %get3A_3, %broadcast_in_dim3A_369 : vector<4097x128xi1>, vector<4097x128xf32>
    %reduce_sum3A_371 = arith.constant dense<0.000000e+00> : vector<128xf32>
    %reduce_sum3A_372 = vector.multi_reduction <add>, %select_n3A_370, %reduce_sum3A_371 [0] : vector<4097x128xf32> to vector<128xf32>
    %broadcast_in_dim3A_373 = vector.shape_cast %reduce_sum3A_372 : vector<128xf32> to vector<1x128xf32>
    %eq3A_374 = arith.constant 0 : i32
    %eq3A_375 = vector.broadcast %eq3A_374 : i32 to vector<1x128xi32>
    %eq3A_376 = arith.cmpi eq, %select_n3A_365, %eq3A_375 : vector<1x128xi32>
    %eq3A_377 = arith.constant 4096 : i32
    %eq3A_378 = vector.broadcast %eq3A_377 : i32 to vector<1x128xi32>
    %eq3A_379 = arith.cmpi eq, %select_n3A_365, %eq3A_378 : vector<1x128xi32>
    %or3A_380 = arith.ori %eq3A_376, %eq3A_379 : vector<1x128xi1>
    %jit3A_381 = arith.constant 1.22070313E-4 : f32
    %jit3A_382 = arith.constant 2.44140625E-4 : f32
    %broadcast_in_dim3A_383 = vector.broadcast %jit3A_381 : f32 to vector<1x128xf32>
    %broadcast_in_dim3A_384 = vector.broadcast %jit3A_382 : f32 to vector<1x128xf32>
    %select_n3A_385 = arith.select %or3A_380, %broadcast_in_dim3A_383, %broadcast_in_dim3A_384 : vector<1x128xi1>, vector<1x128xf32>
    %swap3A_386 = arith.constant 0 : index
    %swap3A_387 = arith.constant 7 : index
    %swap3A_388 = arith.constant 0 : index
    %swap3A_389 = vector.load %arg2[%swap3A_386, %swap3A_387, %swap3A_388] : memref<1x8x128xi32, #tpu.memory_space<vmem>>, vector<1x1x128xi32>
    %swap3A_390 = vector.shape_cast %swap3A_389 : vector<1x1x128xi32> to vector<1x128xi32>
    %swap3A_391 = vector.shape_cast %select_n3A_365 : vector<1x128xi32> to vector<1x1x128xi32>
    tpu.vector_store %arg2[%swap3A_386, %swap3A_387, %swap3A_388], %swap3A_391 {strides = array<i32>} : memref<1x8x128xi32, #tpu.memory_space<vmem>>, vector<1x1x128xi32>,
    %mul3A_392 = arith.mulf %broadcast_in_dim3A_373, %select_n3A_385 : vector<1x128xf32>
    %swap3A_393 = arith.constant 0 : index
    %swap3A_394 = arith.constant 7 : index
    %swap3A_395 = arith.constant 0 : index
    %swap3A_396 = vector.load %arg3[%swap3A_393, %swap3A_394, %swap3A_395] : memref<1x8x128xf32, #tpu.memory_space<vmem>>, vector<1x1x128xf32>
    %swap3A_397 = vector.shape_cast %swap3A_396 : vector<1x1x128xf32> to vector<1x128xf32>
    %swap3A_398 = vector.shape_cast %mul3A_392 : vector<1x128xf32> to vector<1x1x128xf32>
    tpu.vector_store %arg3[%swap3A_393, %swap3A_394, %swap3A_395], %swap3A_398 {strides = array<i32>} : memref<1x8x128xf32, #tpu.memory_space<vmem>>, vector<1x1x128xf32>,
    return
  }
  func.func @transform_0(%arg0: i32) -> (i32, i32, i32) {
    %c0_i32 = arith.constant 0 : i32
    %c0_i32_0 = arith.constant 0 : i32
    %c0_i32_1 = arith.constant 0 : i32
    return %arg0, %c0_i32, %c0_i32_0 : i32, i32, i32
  }
  func.func @transform_1(%arg0: i32) -> (i32, i32, i32) {
    %c0_i32 = arith.constant 0 : i32
    %c0_i32_0 = arith.constant 0 : i32
    %c0_i32_1 = arith.constant 0 : i32
    return %arg0, %c0_i32, %c0_i32_0 : i32, i32, i32
  }
  func.func @transform_2(%arg0: i32) -> (i32, i32, i32) {
    %c0_i32 = arith.constant 0 : i32
    %c0_i32_0 = arith.constant 0 : i32
    %c0_i32_1 = arith.constant 0 : i32
    return %arg0, %c0_i32, %c0_i32_0 : i32, i32, i32
  }
}

</mosaic_0001>

<sc_bundles>
// kernel: kernel.4.cloned.1.call-start
scs
__scs_entry_jumppad:
0x0: {  	(pc) =	sbr.rel $0x88, $3  }
0x1: {  	(tag) =	ssettag $0x0;
	lr =	simm.s32 $0x1  }
0x2: {  	[smem:$0x3FA0] =	sst lr;
	_ =	strace $0xD0000000  }
0x3: {  	_ = 	snop  }
0x4: {  	_ = 	snop  }
0x5: {  	_ = 	snop  }
0x6: {  	_ = 	snop  }
0x7: {  	_ = 	snop  }
__scs_overlays_trampoline_lowered:
0x8: {  	[smem:$0x3FAF] =	sst s0  }
0x9: {  	[smem:$0x3FB0] =	sst s1  }
0xa: {  	[smem:$0x3FB1] =	sst s2  }
0xb: {  	[smem:$0x3FB2] =	sst s3  }
0xc: {  	[smem:$0x3FB3] =	sst s4  }
0xd: {  	[smem:$0x3FB4] =	sst s5  }
0xe: {  	[smem:$0x3FB5] =	sst s6  }
0xf: {  	[smem:$0x3FB6] =	sst s7  }
0x10: {  	[smem:$0x3FB7] =	sst s8  }
0x11: {  	[smem:$0x3FB8] =	sst s9;
	s0 =	simm.s32 @!p0 $0x0  }
0x12: {  	s1 =	sld [smem:$0x3F9E];
	s0 =	simm.s32 @p0 $0x1  }
0x13: {  	[smem:$0x3FB9] =	sst s0;
	s0 =	simm.s32 @!p1 $0x0  }
0x14: {  	s2 =	sld [smem:$0x3F9D];
	s0 =	simm.s32 @p1 $0x1  }
0x15: {  	[smem:$0x3FBA] =	sst s0;
	s0 =	simm.s32 @!p2 $0x0  }
0x16: {  	s3 =	sld [smem:$0x3FDB];
	s0 =	simm.s32 @p2 $0x1  }
0x17: {  	s4 =	simm.s32 $0x1BF5;
	[smem:$0x3FBC] =	sst s0  }
0x18: {  	s0 =	sld [smem:$0x3F9F];
	_ =	swait.ge [sflag:s4], $0x0  }
0x19: {  	s7 =	sld [smem:$0x3FA0]  }
0x1a: {  	s8 =	sadd.s32 $0xFFFFE003, lr  }
0x1b: {  	s9 =	sadd.s32 $0xFFFFFEF7, lr;
	s5 =	simm.s32 $0xFFFFFFFF;
	p2 =	slt.u32 s8, $0xFFFFF086  }
0x1c: {  	p1 =	slt.u32 s9, $0xF7A;
	s5 =	simm.s32 @!p2 $0x0  }
0x1d: {  	s5 =	simm.s32 @p1 $0x1;
	p0 =	seq.s32 s7, s2  }
0x1e: {  	s7 =	smul.u32 @!p0 $0xF7A, s2;
	p2 =	seq.s32 @!p0 s5, $0x0  }
0x1f: {  	s9 =	smul.u32 $0xF7A, s1;
	s8 =	simm.s32 @!p0 $0x1BF5;
	p2 =	por !p2, p0  }
0x20: {  	[sflag:s8] =	ssyncset.s32 @!p0 $0xFFFFF086;
	s6 =	sadd.s32 @!p0 s3, s7;
	s7 =	simm.s32 @!p0 $0x108  }
0x21: {  	s3 =	sadd.s32 s3, s9;
	s6 =	sadd.s32 @!p0 $0x88, s6;
	s7 =	simm.s32 @p2 $0x1082  }
0x22: {  	[simem:s7], [sflag:s8] =	dma.local @!p0 [hbm:s6], $0xF7A  }
0x23: {  	s9 =	sor.u32 $0xD0000000, s2;
	s6 =	simm.s32 $0x108;
	_ =	swait.ge @!p0 [sflag:s8], $0x0  }
0x24: {  	s3 =	sadd.s32 $0x88, s3;
	s6 =	simm.s32 @!p1 $0x1082;
	[sflag:s4] =	ssyncset.s32 $0xFFFFF086  }
0x25: {  	[simem:s6], [sflag:s4] =	dma.local [hbm:s3], $0xF7A  }
0x26: {  	[smem:$0x3FA0] =	sst s1;
	(tag) =	ssettag s2;
	_ =	strace s9  }
0x27: {  	s1 =	sld [smem:$0x3FB0]  }
0x28: {  	s2 =	sld [smem:$0x3FB1]  }
0x29: {  	s4 =	sld [smem:$0x3FB3]  }
0x2a: {  	p0 =	seq.s32 s5, $0x0;
	s5 =	sld [smem:$0x3FB4]  }
0x2b: {  	s6 =	sld [smem:$0x3FB5]  }
0x2c: {  	s7 =	sld [smem:$0x3FB6]  }
0x2d: {  	s3 =	simm.s32 $0x108;
	s8 =	sld [smem:$0x3FB7]  }
0x2e: {  	s3 =	simm.s32 @!p0 $0x1082;
	s9 =	sld [smem:$0x3FB8]  }
0x2f: {  	lr =	sadd.s32 s0, s3;
	s0 =	sld [smem:$0x3FAF]  }
0x30: {  	s3 =	sld [smem:$0x3FB2]  }
0x31: {  	[smem:$0x3FBB] =	sst s10  }
0x32: {  	s10 =	sld [smem:$0x3FB9];
	_ =	sdelay $0x3  }
0x33: {  	p0 =	seq.s32 s10, $0x1;
	s10 =	sld [smem:$0x3FBB];
	_ =	sdelay $0x3  }
0x34: {  	[smem:$0x3FBB] =	sst s10  }
0x35: {  	s10 =	sld [smem:$0x3FBA];
	_ =	sdelay $0x3  }
0x36: {  	p1 =	seq.s32 s10, $0x1;
	s10 =	sld [smem:$0x3FBB];
	_ =	sdelay $0x3  }
0x37: {  	[smem:$0x3FBB] =	sst s10  }
0x38: {  	s10 =	sld [smem:$0x3FBC]  }
0x39: {  	_ = 	snop;
	(pc) =	sbr.ind lr, $3  }
0x3a: {  	_ = 	snop  }
0x3b: {  	_ = 	snop  }
0x3c: {  	p2 =	seq.s32 s10, $0x1;
	s10 =	sld [smem:$0x3FBB]  }
0x3d: {  	_ =	shalt  }
0x3e: {  	_ =	shalt  }
0x3f: {  	_ =	shalt  }
0x40: {  	_ =	shalt  }
0x41: {  	_ =	shalt  }
0x42: {  	_ =	shalt  }
0x43: {  	_ =	shalt  }
0x44: {  	_ =	shalt  }
0x45: {  	_ =	shalt  }
0x46: {  	_ =	shalt  }
0x47: {  	_ =	shalt  }
0x48: {  	_ =	shalt  }
0x49: {  	_ =	shalt  }
0x4a: {  	_ =	shalt  }
0x4b: {  	_ =	shalt  }
0x4c: {  	_ =	shalt  }
0x4d: {  	_ =	shalt  }
0x4e: {  	_ =	shalt  }
0x4f: {  	_ =	shalt  }
0x50: {  	_ =	shalt  }
0x51: {  	_ =	shalt  }
0x52: {  	_ =	shalt  }
0x53: {  	_ =	shalt  }
0x54: {  	_ =	shalt  }
0x55: {  	_ =	shalt  }
0x56: {  	_ =	shalt  }
0x57: {  	_ =	shalt  }
0x58: {  	_ =	shalt  }
0x59: {  	_ =	shalt  }
0x5a: {  	_ =	shalt  }
0x5b: {  	_ =	shalt  }
0x5c: {  	_ =	shalt  }
0x5d: {  	_ =	shalt  }
0x5e: {  	_ =	shalt  }
0x5f: {  	_ =	shalt  }
0x60: {  	_ =	shalt  }
0x61: {  	_ =	shalt  }
0x62: {  	_ =	shalt  }
0x63: {  	_ =	shalt  }
0x64: {  	_ =	shalt  }
0x65: {  	_ =	shalt  }
0x66: {  	_ =	shalt  }
0x67: {  	_ =	shalt  }
0x68: {  	_ =	shalt  }
0x69: {  	_ =	shalt  }
0x6a: {  	_ =	shalt  }
0x6b: {  	_ =	shalt  }
0x6c: {  	_ =	shalt  }
0x6d: {  	_ =	shalt  }
0x6e: {  	_ =	shalt  }
0x6f: {  	_ =	shalt  }
0x70: {  	_ =	shalt  }
0x71: {  	_ =	shalt  }
0x72: {  	_ =	shalt  }
0x73: {  	_ =	shalt  }
0x74: {  	_ =	shalt  }
0x75: {  	_ =	shalt  }
0x76: {  	_ =	shalt  }
0x77: {  	_ =	shalt  }
0x78: {  	_ =	shalt  }
0x79: {  	_ =	shalt  }
0x7a: {  	_ =	shalt  }
0x7b: {  	_ =	shalt  }
0x7c: {  	_ =	shalt  }
0x7d: {  	_ =	shalt  }
0x7e: {  	_ =	shalt  }
0x7f: {  	_ =	shalt  }
0x80: {  	_ =	shalt  }
0x81: {  	_ =	shalt  }
0x82: {  	_ =	shalt  }
0x83: {  	_ =	shalt  }
0x84: {  	_ =	shalt  }
0x85: {  	_ =	shalt  }
0x86: {  	_ =	shalt  }
0x87: {  	_ =	shalt  }
.Lfunc_end0:
.L_simem_size_0:
called_computation.1_lowered:
.L_overlay_start_0:
0x88: {  	s2 =	sld [smem:$0x3FD9]  }
0x89: {  	s3 =	sld [smem:$0x3FFE];
	_ =	sdelay $0x1  }
0x8a: {  	s1 =	srdreg.scid  }
0x8b: {  	s0 =	sand.u32 $0x1, s1  }
0x8c: {  	s14 =	sshll.u32 s0, $0xA;
	s2 =	sadd.s32 s3, s2  }
0x8d: {  	s2 =	sadd.s32 s2, s14  }
0x8e: {  	[smem:$0x3FC7] =	sst s2  }
0x8f: {  	_ = 	snop  }
0x90: {  	s2 =	sld [smem:$0x3FD0];
	_ =	sdelay $0x2  }
0x91: {  	s15 =	simm.s32 $0xA;
	s4 =	simm.s32 $0x10  }
0x92: {  	[smem:s4], [sflag:s15] =	dma.local [hbm:s2], $0x1  }
0x93: {  	_ =	swait.eq [sflag:s15], $0x1  }
0x94: {  	[sflag:s15] =	ssyncset.done $0x0  }
0x95: {  	s16 =	sld [smem:$0x10];
	[sflag:s15] =	ssyncadd.s32 $0xFFFFFFFF  }
0x96: {  	s17 =	sld [smem:$0x11];
	(tm) =	ssettm $0x1  }
0x97: {  	s18 =	sld [smem:$0x3FFB];
	_ =	sdelay $0x3  }
0x98: {  	_ =	strace s18  }
0x99: {  	s4 =	sld [smem:$0x3FFC];
	_ =	sdelay $0x3  }
0x9a: {  	_ =	strace s4  }
0x9b: {  	s4 =	sld [smem:$0x3FFD];
	_ =	sdelay $0x3  }
0x9c: {  	_ =	strace s4  }
0x9d: {  	_ =	strace $0x8FFFFFFF  }
0x9e: {  	s19 =	sld [smem:$0x3FDB];
	_ =	sdelay $0x1  }
0x9f: {  	s5 =	simm.s32 $_scs_section_size  }
0xa0: {  	s6 =	simm.s32 $_size__tile_overlayer_lowered;
	s7 =	simm.s32 $_tile_overlayer_lowered  }
0xa1: {  	s22 =	simm.s32 $0x1BFF;
	s21 =	sshll.u32 s7, $0x1;
	s4 =	sadd.s32 s5, s19  }
0xa2: {  	s8 =	simm.s32 $0x0;
	s20 =	sshll.u32 s6, $0x1;
	s6 =	sadd.s32 s21, s4  }
0xa3: {  	[timem:s8], [sflag:s22] =	dma.local [hbm:s6], s20  }
0xa4: {  	_ =	swait.ge [sflag:s22], s20  }
0xa5: {  	s5 =	ssub.s32 $0x0, s20;
	[sflag:s22] =	ssyncset.done $0x0  }
0xa6: {  	[sflag:s22] =	ssyncadd.s32 s5;
	_ =	sdelay $0x1  }
0xa7: {  	s23 =	simm.s32 $0x1B8B  }
0xa8: {  	_ =	swait.ge [sflag:s23], $0x1  }
0xa9: {  	[sflag:s23] =	ssyncset.done $0x0  }
0xaa: {  	s25 =	simm.s32 $0x1B8E;
	s24 =	sld [smem:$0x3FFE];
	[sflag:s23] =	ssyncadd.s32 $0xFFFFFFFF  }
0xab: {  	s26 =	simm.s32 $execute0_lowered;
	[smem:$0x3FD2] =	sst s25  }
0xac: {  	s6 =	sshll.u32 s26, $0x1;
	_ =	strace $0x80000049;
	[dreg:$0x1] =	wrdreg $0xFFFFFFFF  }
0xad: {  	s28 =	simm.s32 $_size_execute0_lowered;
	s4 =	sadd.s32 s4, s6;
	[dreg:$0x0] =	wrdreg $0x0  }
0xae: {  	s6 =	sshll.u32 s28, $0x1;
	[dreg:$0x2] =	wrdreg s4  }
0xaf: {  	[dreg:$0x3] =	wrdreg s6  }
0xb0: {  	[dreg:$0x4] =	wrdreg $0xC0  }
0xb1: {  	_ =	task [dreg:s8], $0x5FFFF  }
0xb2: {  	[dreg:$0x1] =	wrdreg $0xFFFFFFFF  }
0xb3: {  	[dreg:$0x0] =	wrdreg $0x60  }
0xb4: {  	[dreg:$0x2] =	wrdreg s24  }
0xb5: {  	[dreg:$0x3] =	wrdreg s17  }
0xb6: {  	[dreg:$0x4] =	wrdreg s16  }
0xb7: {  	[dreg:$0x5] =	wrdreg $0x9  }
0xb8: {  	_ =	task.clear_ibuf [dreg:s8], $0x6FFFF;
	_ =	strace $0x90000049  }
0xb9: {  	s29 =	simm.s32 $0x9;
	_ =	strace $0x8000004B  }
0xba: {  	_ =	swait.ge [sflag:s29], $0x1  }
0xbb: {  	[sflag:s29] =	ssyncadd.s32 $0xFFFFFFFF  }
0xbc: {  	_ =	strace $0x9000004B  }
0xbd: {  	_ =	sfence  }
0xbe: {  	s30 =	sld [smem:$0x0];
	_ =	sdelay $0x2  }
0xbf: {  	s31 =	sshll.u32 s1, $0xD;
	s1 =	sshrl.u32 s1, $0x2  }
0xc0: {  	s3 =	sand.u32 $0x4000, s31;
	s1 =	sadd.s32 s1, s30  }
0xc1: {  	s0 =	sor.u32 s3, s0;
	s1 =	sshll.u32 s1, $0x11  }
0xc2: {  	s0 =	sor.u32 s1, s0  }
0xc3: {  	s0 =	sadd.s32 $0x8F2B, s0  }
0xc4: {  	[sflag:s0] =	ssyncadd.remote.s32 $0x1  }
0xc5: {  	_ =	sfence.sel $0xFFFF  }
0xc6: {  	[dreg:$0x0] =	wrdreg $0xFFFFFFFF;
	(pc) =	sbr.abs _section_cstart, $3  }
0xc7: {  	[dreg:$0x1] =	wrdreg $0xFFFFFFFF  }
0xc8: {  	_ =	task.clear_ibuf [dreg:s8], $0x2FFFF;
	_ =	strace $0x9FFFFFFF  }
0xc9: {  	(tm) =	ssettm $0x7FFFFFFF  }
tec
execute0_lowered:
.L_overlay_start_1:
0x0: {  	(tag) =	ssettag $0x1  }
0x1: {  	s0 =	rddreg [dreg:$0x0]  }
0x2: {  	s1 =	rddreg [dreg:$0x1]  }
0x3: {  	s2 =	rddreg [dreg:$0x2];
	s4 =	srdreg.scid;
	s3 =	simm.s32 $0x0  }
0x4: {  	s5 =	stileid.u32;
	s4 =	sand.u32 $0x1, s4;
	[smem:$0x7FF] =	sst s3  }
0x5: {  	s5 =	sshll.u32 s5, $0x8;
	s0 =	sadd.s32 $0x1E00, s0;
	s6 =	sshll.u32 s4, $0x7  }
0x6: {  	_ =	strace $0x8000004A;
	s4 =	ssub.s32 $0x2, s4;
	s5 =	sor.u32 s6, s5  }
0x7: {  	s7 =	sshrl.u32 s4, $0x1;
	s6 =	smul.u32 $0x180, s5;
	s8 =	sadd.s32 s0, s5  }
0x8: {  	s9 =	sor.u32 $0x10, s5;
	s31 =	sor.u32 $0x20, s5;
	s12 =	sor.u32 $0x30, s5  }
0x9: {  	s16 =	sor.u32 $0x40, s5;
	[dreg:$0x4] =	wrdreg s8;
	s30 =	sadd.s32 s0, s9  }
0xa: {  	s20 =	sor.u32 $0x50, s5;
	s11 =	sadd.s32 s0, s31;
	[dreg:$0x6] =	wrdreg s30  }
0xb: {  	s24 =	sor.u32 $0x60, s5;
	s15 =	sadd.s32 s0, s12;
	[dreg:$0x8] =	wrdreg s11  }
0xc: {  	s5 =	sor.u32 $0x70, s5;
	s19 =	sadd.s32 s0, s16;
	[dreg:$0xa] =	wrdreg s15  }
0xd: {  	s7 =	ssub.s32 s4, s7;
	s23 =	sadd.s32 s0, s20;
	[dreg:$0xc] =	wrdreg s19  }
0xe: {  	s4 =	sadd.s32 $0x100, s1;
	s28 =	sadd.s32 s0, s24;
	[dreg:$0xe] =	wrdreg s23  }
0xf: {  	s29 =	smul.u32 $0x180, s9;
	s0 =	sadd.s32 s0, s5;
	[dreg:$0x10] =	wrdreg s28  }
0x10: {  	s10 =	smul.u32 $0x180, s31;
	s6 =	sadd.s32 s2, s6;
	[dreg:$0x12] =	wrdreg s0  }
0x11: {  	s14 =	smul.u32 $0x180, s12;
	[dreg:$0x5] =	wrdreg s6;
	s8 =	sadd.s32 s2, s29  }
0x12: {  	s18 =	smul.u32 $0x180, s16;
	s13 =	sadd.s32 s2, s10;
	[dreg:$0x7] =	wrdreg s8  }
0x13: {  	s22 =	smul.u32 $0x180, s20;
	s17 =	sadd.s32 s2, s14;
	[dreg:$0x9] =	wrdreg s13  }
0x14: {  	s26 =	smul.u32 $0x180, s24;
	s21 =	sadd.s32 s2, s18;
	[dreg:$0xb] =	wrdreg s17  }
0x15: {  	s30 =	smul.u32 $0x180, s5;
	s25 =	sadd.s32 s2, s22;
	[dreg:$0xd] =	wrdreg s21  }
0x16: {  	v2 =	vlaneseq.u32;
	s0 =	smax.u32 s7, $0x1;
	s29 =	sadd.s32 s2, s26;
	[dreg:$0xf] =	wrdreg s25  }
0x17: {  	vm0 =	vmmov $0xffff;
	vm1 =	vmmov $0xff;
	v1 =	vshrl.u32 v2, $0x3;
	s7 =	simm.s32 $0x80;
	[dreg:$0x11] =	wrdreg s29;
	s31 =	sadd.s32 s2, s30  }
0x18: {  	v0 =	vand.u32 $0x7, v2;
	v2 =	vor.u32 $0x8, v2;
	v1 =	vmul.u32 $0x8, v1;
	s6 =	simm.s32 $0x2;
	s14 =	simm.s32 $0x1;
	[dreg:$0x13] =	wrdreg s31  }
.LBB2_1:
0x19: {  	[dreg:$0x14] =	wrdreg s0  }
0x1a: {  	s15 =	rddreg [dreg:$0x4]  }
0x1b: {  	[tilespmem:s3], [sflag:$0x2] =	stream.linear.gather [hbm4b:s15+s3], $0x80, $0x38;
	[tilespmem:$0xC080] =	vst v63  }
0x1c: {  	_ =	swait.ge [sflag:s6], $0x80  }
0x1d: {  	[sflag:s6] =	ssyncset.done $0x0  }
0x1e: {  	[sflag:s6] =	ssyncadd.s32 $0xFFFFFF80  }
0x1f: {  	v3 =	vld [tilespmem:$0x0];
	_ =	sdelay $0x4  }
0x20: {  	v4 =	vshrl.u32 v3, $0x3  }
0x21: {  	v4 =	vmul.u32 $0x18, v4  }
0x22: {  	v3 =	vand.u32 $0x7, v3  }
0x23: {  	v3 =	vor.u32 v3, v4  }
0x24: {  	v4 =	vperm.xlane v3, v0;
	_ =	sdelay $0x1  }
0x25: {  	v4 =	vadd.s32 v1, v4;
	_ =	sdelay $0x1  }
0x26: {  	v3 =	vperm.xlane v3, v2;
	_ =	sdelay $0x1  }
0x27: {  	v3 =	vadd.s32 v1, v3  }
0x28: {  	[tilespmem:s7], [sflag:$0x1] =	stream.indirect_vreg.gather [hbm4b:s1+s3], $0x80, v4, vm0, $0xb8;
	[tilespmem:$0xC080] =	vst v63  }
0x29: {  	s12 =	simm.s32 $0x880  }
0x2a: {  	[tilespmem:s12], [sflag:$0x1] =	stream.indirect_vreg.gather [hbm4b:s4+s3], $0x80, v4, vm1, $0xb8;
	[tilespmem:$0xC080] =	vst v63  }
0x2b: {  	s13 =	simm.s32 $0xC80  }
0x2c: {  	[tilespmem:s13], [sflag:$0x1] =	stream.indirect_vreg.gather [hbm4b:s1+s3], $0x80, v3, vm0, $0xb8;
	[tilespmem:$0xC080] =	vst v63  }
0x2d: {  	s15 =	simm.s32 $0x1480  }
0x2e: {  	[tilespmem:s15], [sflag:$0x1] =	stream.indirect_vreg.gather [hbm4b:s4+s3], $0x80, v3, vm1, $0xb8;
	[tilespmem:$0xC080] =	vst v63  }
0x2f: {  	v3 =	vld [tilespmem:$0x10];
	_ =	sdelay $0x4  }
0x30: {  	v57 =	vshrl.u32 v3, $0x3  }
0x31: {  	v4 =	vmul.u32 $0x18, v57  }
0x32: {  	v3 =	vand.u32 $0x7, v3  }
0x33: {  	v3 =	vor.u32 v3, v4  }
0x34: {  	v4 =	vperm.xlane v3, v0;
	_ =	sdelay $0x1  }
0x35: {  	v4 =	vadd.s32 v1, v4;
	_ =	sdelay $0x1  }
0x36: {  	v3 =	vperm.xlane v3, v2;
	_ =	sdelay $0x1  }
0x37: {  	s16 =	simm.s32 $0x1880;
	v3 =	vadd.s32 v1, v3  }
0x38: {  	[tilespmem:s16], [sflag:$0x1] =	stream.indirect_vreg.gather [hbm4b:s1+s3], $0x80, v4, vm0, $0xb8;
	[tilespmem:$0xC080] =	vst v63  }
0x39: {  	s17 =	simm.s32 $0x2080  }
0x3a: {  	[tilespmem:s17], [sflag:$0x1] =	stream.indirect_vreg.gather [hbm4b:s4+s3], $0x80, v4, vm1, $0xb8;
	[tilespmem:$0xC080] =	vst v63  }
0x3b: {  	s18 =	simm.s32 $0x2480  }
0x3c: {  	[tilespmem:s18], [sflag:$0x1] =	stream.indirect_vreg.gather [hbm4b:s1+s3], $0x80, v3, vm0, $0xb8;
	[tilespmem:$0xC080] =	vst v63  }
0x3d: {  	s19 =	simm.s32 $0x2C80  }
0x3e: {  	[tilespmem:s19], [sflag:$0x1] =	stream.indirect_vreg.gather [hbm4b:s4+s3], $0x80, v3, vm1, $0xb8;
	[tilespmem:$0xC080] =	vst v63  }
0x3f: {  	v3 =	vld [tilespmem:$0x20];
	_ =	sdelay $0x4  }
0x40: {  	v58 =	vshrl.u32 v3, $0x3  }
0x41: {  	v4 =	vmul.u32 $0x18, v58  }
0x42: {  	v3 =	vand.u32 $0x7, v3  }
0x43: {  	v3 =	vor.u32 v3, v4  }
0x44: {  	v4 =	vperm.xlane v3, v0;
	_ =	sdelay $0x1  }
0x45: {  	v4 =	vadd.s32 v1, v4;
	_ =	sdelay $0x1  }
0x46: {  	v3 =	vperm.xlane v3, v2;
	_ =	sdelay $0x1  }
0x47: {  	s20 =	simm.s32 $0x3080;
	v3 =	vadd.s32 v1, v3  }
0x48: {  	[tilespmem:s20], [sflag:$0x1] =	stream.indirect_vreg.gather [hbm4b:s1+s3], $0x80, v4, vm0, $0xb8;
	[tilespmem:$0xC080] =	vst v63  }
0x49: {  	s21 =	simm.s32 $0x3880  }
0x4a: {  	[tilespmem:s21], [sflag:$0x1] =	stream.indirect_vreg.gather [hbm4b:s4+s3], $0x80, v4, vm1, $0xb8;
	[tilespmem:$0xC080] =	vst v63  }
0x4b: {  	s22 =	simm.s32 $0x3C80  }
0x4c: {  	[tilespmem:s22], [sflag:$0x1] =	stream.indirect_vreg.gather [hbm4b:s1+s3], $0x80, v3, vm0, $0xb8;
	[tilespmem:$0xC080] =	vst v63  }
0x4d: {  	s24 =	simm.s32 $0x4480  }
0x4e: {  	[tilespmem:s24], [sflag:$0x1] =	stream.indirect_vreg.gather [hbm4b:s4+s3], $0x80, v3, vm1, $0xb8;
	[tilespmem:$0xC080] =	vst v63  }
0x4f: {  	v3 =	vld [tilespmem:$0x30];
	_ =	sdelay $0x4  }
0x50: {  	v59 =	vshrl.u32 v3, $0x3  }
0x51: {  	v4 =	vmul.u32 $0x18, v59  }
0x52: {  	v3 =	vand.u32 $0x7, v3  }
0x53: {  	v3 =	vor.u32 v3, v4  }
0x54: {  	v4 =	vperm.xlane v3, v0;
	_ =	sdelay $0x1  }
0x55: {  	v4 =	vadd.s32 v1, v4;
	_ =	sdelay $0x1  }
0x56: {  	v3 =	vperm.xlane v3, v2;
	_ =	sdelay $0x1  }
0x57: {  	s25 =	simm.s32 $0x4880;
	v3 =	vadd.s32 v1, v3  }
0x58: {  	[tilespmem:s25], [sflag:$0x1] =	stream.indirect_vreg.gather [hbm4b:s1+s3], $0x80, v4, vm0, $0xb8;
	[tilespmem:$0xC080] =	vst v63  }
0x59: {  	s26 =	simm.s32 $0x5080  }
0x5a: {  	[tilespmem:s26], [sflag:$0x1] =	stream.indirect_vreg.gather [hbm4b:s4+s3], $0x80, v4, vm1, $0xb8;
	[tilespmem:$0xC080] =	vst v63  }
0x5b: {  	s28 =	simm.s32 $0x5480  }
0x5c: {  	[tilespmem:s28], [sflag:$0x1] =	stream.indirect_vreg.gather [hbm4b:s1+s3], $0x80, v3, vm0, $0xb8;
	[tilespmem:$0xC080] =	vst v63  }
0x5d: {  	s29 =	simm.s32 $0x5C80  }
0x5e: {  	[tilespmem:s29], [sflag:$0x1] =	stream.indirect_vreg.gather [hbm4b:s4+s3], $0x80, v3, vm1, $0xb8;
	[tilespmem:$0xC080] =	vst v63  }
0x5f: {  	v3 =	vld [tilespmem:$0x40];
	_ =	sdelay $0x4  }
0x60: {  	v60 =	vshrl.u32 v3, $0x3  }
0x61: {  	v4 =	vmul.u32 $0x18, v60  }
0x62: {  	v3 =	vand.u32 $0x7, v3  }
0x63: {  	v3 =	vor.u32 v3, v4  }
0x64: {  	v4 =	vperm.xlane v3, v0;
	_ =	sdelay $0x1  }
0x65: {  	v4 =	vadd.s32 v1, v4;
	_ =	sdelay $0x1  }
0x66: {  	v3 =	vperm.xlane v3, v2;
	_ =	sdelay $0x1  }
0x67: {  	s30 =	simm.s32 $0x6080;
	v3 =	vadd.s32 v1, v3  }
0x68: {  	[tilespmem:s30], [sflag:$0x1] =	stream.indirect_vreg.gather [hbm4b:s1+s3], $0x80, v4, vm0, $0xb8;
	[tilespmem:$0xC080] =	vst v63  }
0x69: {  	s31 =	simm.s32 $0x6880  }
0x6a: {  	[tilespmem:s31], [sflag:$0x1] =	stream.indirect_vreg.gather [hbm4b:s4+s3], $0x80, v4, vm1, $0xb8;
	[tilespmem:$0xC080] =	vst v63  }
0x6b: {  	s2 =	simm.s32 $0x6C80  }
0x6c: {  	[tilespmem:s2], [sflag:$0x1] =	stream.indirect_vreg.gather [hbm4b:s1+s3], $0x80, v3, vm0, $0xb8;
	[tilespmem:$0xC080] =	vst v63  }
0x6d: {  	s5 =	simm.s32 $0x7480  }
0x6e: {  	[tilespmem:s5], [sflag:$0x1] =	stream.indirect_vreg.gather [hbm4b:s4+s3], $0x80, v3, vm1, $0xb8;
	[tilespmem:$0xC080] =	vst v63  }
0x6f: {  	v3 =	vld [tilespmem:$0x50];
	_ =	sdelay $0x4  }
0x70: {  	v61 =	vshrl.u32 v3, $0x3  }
0x71: {  	v4 =	vmul.u32 $0x18, v61  }
0x72: {  	v3 =	vand.u32 $0x7, v3  }
0x73: {  	v3 =	vor.u32 v3, v4  }
0x74: {  	v4 =	vperm.xlane v3, v0;
	_ =	sdelay $0x1  }
0x75: {  	v4 =	vadd.s32 v1, v4;
	_ =	sdelay $0x1  }
0x76: {  	v3 =	vperm.xlane v3, v2;
	_ =	sdelay $0x1  }
0x77: {  	s8 =	simm.s32 $0x7880;
	v3 =	vadd.s32 v1, v3  }
0x78: {  	[tilespmem:s8], [sflag:$0x1] =	stream.indirect_vreg.gather [hbm4b:s1+s3], $0x80, v4, vm0, $0xb8;
	[tilespmem:$0xC080] =	vst v63  }
0x79: {  	s9 =	simm.s32 $0x8080  }
0x7a: {  	[tilespmem:s9], [sflag:$0x1] =	stream.indirect_vreg.gather [hbm4b:s4+s3], $0x80, v4, vm1, $0xb8;
	[tilespmem:$0xC080] =	vst v63  }
0x7b: {  	s10 =	simm.s32 $0x8480  }
0x7c: {  	[tilespmem:s10], [sflag:$0x1] =	stream.indirect_vreg.gather [hbm4b:s1+s3], $0x80, v3, vm0, $0xb8;
	[tilespmem:$0xC080] =	vst v63  }
0x7d: {  	s15 =	simm.s32 $0x8C80  }
0x7e: {  	[tilespmem:s15], [sflag:$0x1] =	stream.indirect_vreg.gather [hbm4b:s4+s3], $0x80, v3, vm1, $0xb8;
	[tilespmem:$0xC080] =	vst v63  }
0x7f: {  	v3 =	vld [tilespmem:$0x60];
	_ =	sdelay $0x4  }
0x80: {  	v62 =	vshrl.u32 v3, $0x3  }
0x81: {  	v4 =	vmul.u32 $0x18, v62  }
0x82: {  	v3 =	vand.u32 $0x7, v3  }
0x83: {  	v3 =	vor.u32 v3, v4  }
0x84: {  	v4 =	vperm.xlane v3, v0;
	_ =	sdelay $0x1  }
0x85: {  	v4 =	vadd.s32 v1, v4;
	_ =	sdelay $0x1  }
0x86: {  	v3 =	vperm.xlane v3, v2;
	_ =	sdelay $0x1  }
0x87: {  	s19 =	simm.s32 $0x9080;
	v3 =	vadd.s32 v1, v3  }
0x88: {  	[tilespmem:s19], [sflag:$0x1] =	stream.indirect_vreg.gather [hbm4b:s1+s3], $0x80, v4, vm0, $0xb8;
	[tilespmem:$0xC080] =	vst v63  }
0x89: {  	s20 =	simm.s32 $0x9880  }
0x8a: {  	[tilespmem:s20], [sflag:$0x1] =	stream.indirect_vreg.gather [hbm4b:s4+s3], $0x80, v4, vm1, $0xb8;
	[tilespmem:$0xC080] =	vst v63  }
0x8b: {  	s22 =	simm.s32 $0x9C80  }
0x8c: {  	[tilespmem:s22], [sflag:$0x1] =	stream.indirect_vreg.gather [hbm4b:s1+s3], $0x80, v3, vm0, $0xb8;
	[tilespmem:$0xC080] =	vst v63  }
0x8d: {  	s24 =	simm.s32 $0xA480  }
0x8e: {  	[tilespmem:s24], [sflag:$0x1] =	stream.indirect_vreg.gather [hbm4b:s4+s3], $0x80, v3, vm1, $0xb8;
	[tilespmem:$0xC080] =	vst v63  }
0x8f: {  	v3 =	vld [tilespmem:$0x70];
	_ =	sdelay $0x4  }
0x90: {  	v63 =	vshrl.u32 v3, $0x3  }
0x91: {  	v4 =	vmul.u32 $0x18, v63  }
0x92: {  	v3 =	vand.u32 $0x7, v3  }
0x93: {  	v3 =	vor.u32 v3, v4  }
0x94: {  	v4 =	vperm.xlane v3, v0;
	_ =	sdelay $0x1  }
0x95: {  	v4 =	vadd.s32 v1, v4;
	_ =	sdelay $0x1  }
0x96: {  	v3 =	vperm.xlane v3, v2;
	_ =	sdelay $0x1  }
0x97: {  	s25 =	simm.s32 $0xA880;
	v3 =	vadd.s32 v1, v3  }
0x98: {  	[tilespmem:s25], [sflag:$0x1] =	stream.indirect_vreg.gather [hbm4b:s1+s3], $0x80, v4, vm0, $0xb8;
	[tilespmem:$0xC080] =	vst v63  }
0x99: {  	s26 =	simm.s32 $0xB080  }
0x9a: {  	[tilespmem:s26], [sflag:$0x1] =	stream.indirect_vreg.gather [hbm4b:s4+s3], $0x80, v4, vm1, $0xb8;
	[tilespmem:$0xC080] =	vst v63  }
0x9b: {  	s28 =	simm.s32 $0xB480  }
0x9c: {  	[tilespmem:s28], [sflag:$0x1] =	stream.indirect_vreg.gather [hbm4b:s1+s3], $0x80, v3, vm0, $0xb8;
	[tilespmem:$0xC080] =	vst v63  }
0x9d: {  	s29 =	simm.s32 $0xBC80  }
0x9e: {  	[tilespmem:s29], [sflag:$0x1] =	stream.indirect_vreg.gather [hbm4b:s4+s3], $0x80, v3, vm1, $0xb8;
	[tilespmem:$0xC080] =	vst v63  }
0x9f: {  	_ =	swait.ge [sflag:s14], $0xC000  }
0xa0: {  	[sflag:s14] =	ssyncset.done $0x0  }
0xa1: {  	s30 =	rddreg [dreg:$0x5];
	[sflag:s14] =	ssyncadd.s32 $0xFFFF4000  }
0xa2: {  	[hbm4b:s30+s3] =	stream.linear.scatter [tilespmem:s7], [sflag:$0x2], $0xC000, $0x38;
	[tilespmem:$0xC080] =	vst v63  }
0xa3: {  	_ =	swait.ge [sflag:s6], $0xC000  }
0xa4: {  	[sflag:s6] =	ssyncset.done $0x0  }
0xa5: {  	s31 =	rddreg [dreg:$0x6];
	[sflag:s6] =	ssyncadd.s32 $0xFFFF4000  }
0xa6: {  	[tilespmem:s3], [sflag:$0x2] =	stream.linear.gather [hbm4b:s31+s3], $0x80, $0x38;
	[tilespmem:$0xC080] =	vst v63  }
0xa7: {  	_ =	swait.ge [sflag:s6], $0x80  }
0xa8: {  	[sflag:s6] =	ssyncset.done $0x0  }
0xa9: {  	[sflag:s6] =	ssyncadd.s32 $0xFFFFFF80  }
0xaa: {  	v3 =	vld [tilespmem:$0x0];
	_ =	sdelay $0x4  }
0xab: {  	v8 =	vshrl.u32 v3, $0x3  }
0xac: {  	v4 =	vmul.u32 $0x18, v8  }
0xad: {  	v3 =	vand.u32 $0x7, v3  }
0xae: {  	v3 =	vor.u32 v3, v4  }
0xaf: {  	v4 =	vperm.xlane v3, v0;
	_ =	sdelay $0x1  }
0xb0: {  	v4 =	vadd.s32 v1, v4;
	_ =	sdelay $0x1  }
0xb1: {  	v3 =	vperm.xlane v3, v2;
	_ =	sdelay $0x1  }
0xb2: {  	v3 =	vadd.s32 v1, v3  }
0xb3: {  	[tilespmem:s7], [sflag:$0x1] =	stream.indirect_vreg.gather [hbm4b:s1+s3], $0x80, v4, vm0, $0xb8;
	[tilespmem:$0xC080] =	vst v63  }
0xb4: {  	s11 =	simm.s32 $0x880  }
0xb5: {  	[tilespmem:s11], [sflag:$0x1] =	stream.indirect_vreg.gather [hbm4b:s4+s3], $0x80, v4, vm1, $0xb8;
	[tilespmem:$0xC080] =	vst v63  }
0xb6: {  	s12 =	simm.s32 $0xC80  }
0xb7: {  	[tilespmem:s12], [sflag:$0x1] =	stream.indirect_vreg.gather [hbm4b:s1+s3], $0x80, v3, vm0, $0xb8;
	[tilespmem:$0xC080] =	vst v63  }
0xb8: {  	s22 =	simm.s32 $0x1480  }
0xb9: {  	[tilespmem:s22], [sflag:$0x1] =	stream.indirect_vreg.gather [hbm4b:s4+s3], $0x80, v3, vm1, $0xb8;
	[tilespmem:$0xC080] =	vst v63  }
0xba: {  	v3 =	vld [tilespmem:$0x10];
	_ =	sdelay $0x4  }
0xbb: {  	v9 =	vshrl.u32 v3, $0x3  }
0xbc: {  	v4 =	vmul.u32 $0x18, v9  }
0xbd: {  	v3 =	vand.u32 $0x7, v3  }
0xbe: {  	v3 =	vor.u32 v3, v4  }
0xbf: {  	v4 =	vperm.xlane v3, v0;
	_ =	sdelay $0x1  }
0xc0: {  	v4 =	vadd.s32 v1, v4;
	_ =	sdelay $0x1  }
0xc1: {  	v3 =	vperm.xlane v3, v2;
	_ =	sdelay $0x1  }
0xc2: {  	s13 =	simm.s32 $0x1880;
	v3 =	vadd.s32 v1, v3  }
0xc3: {  	[tilespmem:s13], [sflag:$0x1] =	stream.indirect_vreg.gather [hbm4b:s1+s3], $0x80, v4, vm0, $0xb8;
	[tilespmem:$0xC080] =	vst v63  }
0xc4: {  	s16 =	simm.s32 $0x2080  }
0xc5: {  	[tilespmem:s16], [sflag:$0x1] =	stream.indirect_vreg.gather [hbm4b:s4+s3], $0x80, v4, vm1, $0xb8;
	[tilespmem:$0xC080] =	vst v63  }
0xc6: {  	s17 =	simm.s32 $0x2480  }
0xc7: {  	[tilespmem:s17], [sflag:$0x1] =	stream.indirect_vreg.gather [hbm4b:s1+s3], $0x80, v3, vm0, $0xb8;
	[tilespmem:$0xC080] =	vst v63  }
0xc8: {  	s23 =	simm.s32 $0x2C80  }
0xc9: {  	[tilespmem:s23], [sflag:$0x1] =	stream.indirect_vreg.gather [hbm4b:s4+s3], $0x80, v3, vm1, $0xb8;
	[tilespmem:$0xC080] =	vst v63  }
0xca: {  	v3 =	vld [tilespmem:$0x20];
	_ =	sdelay $0x4  }
0xcb: {  	v10 =	vshrl.u32 v3, $0x3  }
0xcc: {  	v4 =	vmul.u32 $0x18, v10  }
0xcd: {  	v3 =	vand.u32 $0x7, v3  }
0xce: {  	v3 =	vor.u32 v3, v4  }
0xcf: {  	v4 =	vperm.xlane v3, v0;
	_ =	sdelay $0x1  }
0xd0: {  	v4 =	vadd.s32 v1, v4;
	_ =	sdelay $0x1  }
0xd1: {  	v3 =	vperm.xlane v3, v2;
	_ =	sdelay $0x1  }
0xd2: {  	s23 =	simm.s32 $0x3080;
	v3 =	vadd.s32 v1, v3  }
0xd3: {  	[tilespmem:s23], [sflag:$0x1] =	stream.indirect_vreg.gather [hbm4b:s1+s3], $0x80, v4, vm0, $0xb8;
	[tilespmem:$0xC080] =	vst v63  }
0xd4: {  	s24 =	simm.s32 $0x3880  }
0xd5: {  	[tilespmem:s24], [sflag:$0x1] =	stream.indirect_vreg.gather [hbm4b:s4+s3], $0x80, v4, vm1, $0xb8;
	[tilespmem:$0xC080] =	vst v63  }
0xd6: {  	s25 =	simm.s32 $0x3C80  }
0xd7: {  	[tilespmem:s25], [sflag:$0x1] =	stream.indirect_vreg.gather [hbm4b:s1+s3], $0x80, v3, vm0, $0xb8;
	[tilespmem:$0xC080] =	vst v63  }
0xd8: {  	s26 =	simm.s32 $0x4480  }
0xd9: {  	[tilespmem:s26], [sflag:$0x1] =	stream.indirect_vreg.gather [hbm4b:s4+s3], $0x80, v3, vm1, $0xb8;
	[tilespmem:$0xC080] =	vst v63  }
0xda: {  	v3 =	vld [tilespmem:$0x30];
	_ =	sdelay $0x4  }
0xdb: {  	v11 =	vshrl.u32 v3, $0x3  }
0xdc: {  	v4 =	vmul.u32 $0x18, v11  }
0xdd: {  	v3 =	vand.u32 $0x7, v3  }
0xde: {  	v3 =	vor.u32 v3, v4  }
0xdf: {  	v4 =	vperm.xlane v3, v0;
	_ =	sdelay $0x1  }
0xe0: {  	v4 =	vadd.s32 v1, v4;
	_ =	sdelay $0x1  }
0xe1: {  	v3 =	vperm.xlane v3, v2;
	_ =	sdelay $0x1  }
0xe2: {  	s28 =	simm.s32 $0x4880;
	v3 =	vadd.s32 v1, v3  }
0xe3: {  	[tilespmem:s28], [sflag:$0x1] =	stream.indirect_vreg.gather [hbm4b:s1+s3], $0x80, v4, vm0, $0xb8;
	[tilespmem:$0xC080] =	vst v63  }
0xe4: {  	s29 =	simm.s32 $0x5080  }
0xe5: {  	[tilespmem:s29], [sflag:$0x1] =	stream.indirect_vreg.gather [hbm4b:s4+s3], $0x80, v4, vm1, $0xb8;
	[tilespmem:$0xC080] =	vst v63  }
0xe6: {  	s30 =	simm.s32 $0x5480  }
0xe7: {  	[tilespmem:s30], [sflag:$0x1] =	stream.indirect_vreg.gather [hbm4b:s1+s3], $0x80, v3, vm0, $0xb8;
	[tilespmem:$0xC080] =	vst v63  }
0xe8: {  	s31 =	simm.s32 $0x5C80  }
0xe9: {  	[tilespmem:s31], [sflag:$0x1] =	stream.indirect_vreg.gather [hbm4b:s4+s3], $0x80, v3, vm1, $0xb8;
	[tilespmem:$0xC080] =	vst v63  }
0xea: {  	v3 =	vld [tilespmem:$0x40];
	_ =	sdelay $0x4  }
0xeb: {  	v12 =	vshrl.u32 v3, $0x3  }
0xec: {  	v4 =	vmul.u32 $0x18, v12  }
0xed: {  	v3 =	vand.u32 $0x7, v3  }
0xee: {  	v3 =	vor.u32 v3, v4  }
0xef: {  	v4 =	vperm.xlane v3, v0;
	_ =	sdelay $0x1  }
0xf0: {  	v4 =	vadd.s32 v1, v4;
	_ =	sdelay $0x1  }
0xf1: {  	v3 =	vperm.xlane v3, v2;
	_ =	sdelay $0x1  }
0xf2: {  	s11 =	simm.s32 $0x6080;
	v3 =	vadd.s32 v1, v3  }
0xf3: {  	[tilespmem:s11], [sflag:$0x1] =	stream.indirect_vreg.gather [hbm4b:s1+s3], $0x80, v4, vm0, $0xb8;
	[tilespmem:$0xC080] =	vst v63  }
0xf4: {  	s12 =	simm.s32 $0x6880  }
0xf5: {  	[tilespmem:s12], [sflag:$0x1] =	stream.indirect_vreg.gather [hbm4b:s4+s3], $0x80, v4, vm1, $0xb8;
	[tilespmem:$0xC080] =	vst v63  }
0xf6: {  	s13 =	simm.s32 $0x6C80  }
0xf7: {  	[tilespmem:s13], [sflag:$0x1] =	stream.indirect_vreg.gather [hbm4b:s1+s3], $0x80, v3, vm0, $0xb8;
	[tilespmem:$0xC080] =	vst v63  }
0xf8: {  	s18 =	simm.s32 $0x7480  }
0xf9: {  	[tilespmem:s18], [sflag:$0x1] =	stream.indirect_vreg.gather [hbm4b:s4+s3], $0x80, v3, vm1, $0xb8;
	[tilespmem:$0xC080] =	vst v63  }
0xfa: {  	v3 =	vld [tilespmem:$0x50];
	_ =	sdelay $0x4  }
0xfb: {  	v13 =	vshrl.u32 v3, $0x3  }
0xfc: {  	v4 =	vmul.u32 $0x18, v13  }
0xfd: {  	v3 =	vand.u32 $0x7, v3  }
0xfe: {  	v3 =	vor.u32 v3, v4  }
0xff: {  	v4 =	vperm.xlane v3, v0;
	_ =	sdelay $0x1  }
0x100: {  	v4 =	vadd.s32 v1, v4;
	_ =	sdelay $0x1  }
0x101: {  	v3 =	vperm.xlane v3, v2;
	_ =	sdelay $0x1  }
0x102: {  	s16 =	simm.s32 $0x7880;
	v3 =	vadd.s32 v1, v3  }
0x103: {  	[tilespmem:s16], [sflag:$0x1] =	stream.indirect_vreg.gather [hbm4b:s1+s3], $0x80, v4, vm0, $0xb8;
	[tilespmem:$0xC080] =	vst v63  }
0x104: {  	s17 =	simm.s32 $0x8080  }
0x105: {  	[tilespmem:s17], [sflag:$0x1] =	stream.indirect_vreg.gather [hbm4b:s4+s3], $0x80, v4, vm1, $0xb8;
	[tilespmem:$0xC080] =	vst v63  }
0x106: {  	s18 =	simm.s32 $0x8480  }
0x107: {  	[tilespmem:s18], [sflag:$0x1] =	stream.indirect_vreg.gather [hbm4b:s1+s3], $0x80, v3, vm0, $0xb8;
	[tilespmem:$0xC080] =	vst v63  }
0x108: {  	s21 =	simm.s32 $0x8C80  }
0x109: {  	[tilespmem:s21], [sflag:$0x1] =	stream.indirect_vreg.gather [hbm4b:s4+s3], $0x80, v3, vm1, $0xb8;
	[tilespmem:$0xC080] =	vst v63  }
0x10a: {  	v3 =	vld [tilespmem:$0x60];
	_ =	sdelay $0x4  }
0x10b: {  	v14 =	vshrl.u32 v3, $0x3  }
0x10c: {  	v4 =	vmul.u32 $0x18, v14  }
0x10d: {  	v3 =	vand.u32 $0x7, v3  }
0x10e: {  	v3 =	vor.u32 v3, v4  }
0x10f: {  	v4 =	vperm.xlane v3, v0;
	_ =	sdelay $0x1  }
0x110: {  	v4 =	vadd.s32 v1, v4;
	_ =	sdelay $0x1  }
0x111: {  	v3 =	vperm.xlane v3, v2;
	_ =	sdelay $0x1  }
0x112: {  	s0 =	simm.s32 $0x9080;
	v3 =	vadd.s32 v1, v3  }
0x113: {  	[tilespmem:s0], [sflag:$0x1] =	stream.indirect_vreg.gather [hbm4b:s1+s3], $0x80, v4, vm0, $0xb8;
	[tilespmem:$0xC080] =	vst v63  }
0x114: {  	s2 =	simm.s32 $0x9880  }
0x115: {  	[tilespmem:s2], [sflag:$0x1] =	stream.indirect_vreg.gather [hbm4b:s4+s3], $0x80, v4, vm1, $0xb8;
	[tilespmem:$0xC080] =	vst v63  }
0x116: {  	s5 =	simm.s32 $0x9C80  }
0x117: {  	[tilespmem:s5], [sflag:$0x1] =	stream.indirect_vreg.gather [hbm4b:s1+s3], $0x80, v3, vm0, $0xb8;
	[tilespmem:$0xC080] =	vst v63  }
0x118: {  	s19 =	simm.s32 $0xA480  }
0x119: {  	[tilespmem:s19], [sflag:$0x1] =	stream.indirect_vreg.gather [hbm4b:s4+s3], $0x80, v3, vm1, $0xb8;
	[tilespmem:$0xC080] =	vst v63  }
0x11a: {  	v3 =	vld [tilespmem:$0x70];
	_ =	sdelay $0x4  }
0x11b: {  	v15 =	vshrl.u32 v3, $0x3  }
0x11c: {  	v4 =	vmul.u32 $0x18, v15  }
0x11d: {  	v3 =	vand.u32 $0x7, v3  }
0x11e: {  	v3 =	vor.u32 v3, v4  }
0x11f: {  	v4 =	vperm.xlane v3, v0;
	_ =	sdelay $0x1  }
0x120: {  	v4 =	vadd.s32 v1, v4;
	_ =	sdelay $0x1  }
0x121: {  	v3 =	vperm.xlane v3, v2;
	_ =	sdelay $0x1  }
0x122: {  	s8 =	simm.s32 $0xA880;
	v3 =	vadd.s32 v1, v3  }
0x123: {  	[tilespmem:s8], [sflag:$0x1] =	stream.indirect_vreg.gather [hbm4b:s1+s3], $0x80, v4, vm0, $0xb8;
	[tilespmem:$0xC080] =	vst v63  }
0x124: {  	s9 =	simm.s32 $0xB080  }
0x125: {  	[tilespmem:s9], [sflag:$0x1] =	stream.indirect_vreg.gather [hbm4b:s4+s3], $0x80, v4, vm1, $0xb8;
	[tilespmem:$0xC080] =	vst v63  }
0x126: {  	s10 =	simm.s32 $0xB480  }
0x127: {  	[tilespmem:s10], [sflag:$0x1] =	stream.indirect_vreg.gather [hbm4b:s1+s3], $0x80, v3, vm0, $0xb8;
	[tilespmem:$0xC080] =	vst v63  }
0x128: {  	s20 =	simm.s32 $0xBC80  }
0x129: {  	[tilespmem:s20], [sflag:$0x1] =	stream.indirect_vreg.gather [hbm4b:s4+s3], $0x80, v3, vm1, $0xb8;
	[tilespmem:$0xC080] =	vst v63  }
0x12a: {  	_ =	swait.ge [sflag:s14], $0xC000  }
0x12b: {  	[sflag:s14] =	ssyncset.done $0x0  }
0x12c: {  	s15 =	rddreg [dreg:$0x7];
	[sflag:s14] =	ssyncadd.s32 $0xFFFF4000  }
0x12d: {  	[hbm4b:s15+s3] =	stream.linear.scatter [tilespmem:s7], [sflag:$0x2], $0xC000, $0x38;
	[tilespmem:$0xC080] =	vst v63  }
0x12e: {  	_ =	swait.ge [sflag:s6], $0xC000  }
0x12f: {  	[sflag:s6] =	ssyncset.done $0x0  }
0x130: {  	s15 =	rddreg [dreg:$0x8];
	[sflag:s6] =	ssyncadd.s32 $0xFFFF4000  }
0x131: {  	[tilespmem:s3], [sflag:$0x2] =	stream.linear.gather [hbm4b:s15+s3], $0x80, $0x38;
	[tilespmem:$0xC080] =	vst v63  }
0x132: {  	_ =	swait.ge [sflag:s6], $0x80  }
0x133: {  	[sflag:s6] =	ssyncset.done $0x0  }
0x134: {  	[sflag:s6] =	ssyncadd.s32 $0xFFFFFF80  }
0x135: {  	v3 =	vld [tilespmem:$0x0];
	_ =	sdelay $0x4  }
0x136: {  	v16 =	vshrl.u32 v3, $0x3  }
0x137: {  	v4 =	vmul.u32 $0x18, v16  }
0x138: {  	v3 =	vand.u32 $0x7, v3  }
0x139: {  	v3 =	vor.u32 v3, v4  }
0x13a: {  	v4 =	vperm.xlane v3, v0;
	_ =	sdelay $0x1  }
0x13b: {  	v4 =	vadd.s32 v1, v4;
	_ =	sdelay $0x1  }
0x13c: {  	v3 =	vperm.xlane v3, v2;
	_ =	sdelay $0x1  }
0x13d: {  	v3 =	vadd.s32 v1, v3  }
0x13e: {  	[tilespmem:s7], [sflag:$0x1] =	stream.indirect_vreg.gather [hbm4b:s1+s3], $0x80, v4, vm0, $0xb8;
	[tilespmem:$0xC080] =	vst v63  }
0x13f: {  	s15 =	simm.s32 $0x880  }
0x140: {  	[tilespmem:s15], [sflag:$0x1] =	stream.indirect_vreg.gather [hbm4b:s4+s3], $0x80, v4, vm1, $0xb8;
	[tilespmem:$0xC080] =	vst v63  }
0x141: {  	s15 =	simm.s32 $0xC80  }
0x142: {  	[tilespmem:s15], [sflag:$0x1] =	stream.indirect_vreg.gather [hbm4b:s1+s3], $0x80, v3, vm0, $0xb8;
	[tilespmem:$0xC080] =	vst v63  }
0x143: {  	_ = 	snop  }
0x144: {  	[tilespmem:s22], [sflag:$0x1] =	stream.indirect_vreg.gather [hbm4b:s4+s3], $0x80, v3, vm1, $0xb8;
	[tilespmem:$0xC080] =	vst v63  }
0x145: {  	v3 =	vld [tilespmem:$0x10];
	_ =	sdelay $0x4  }
0x146: {  	v17 =	vshrl.u32 v3, $0x3  }
0x147: {  	v4 =	vmul.u32 $0x18, v17  }
0x148: {  	v3 =	vand.u32 $0x7, v3  }
0x149: {  	v3 =	vor.u32 v3, v4  }
0x14a: {  	v4 =	vperm.xlane v3, v0;
	_ =	sdelay $0x1  }
0x14b: {  	v4 =	vadd.s32 v1, v4;
	_ =	sdelay $0x1  }
0x14c: {  	v3 =	vperm.xlane v3, v2;
	_ =	sdelay $0x1  }
0x14d: {  	s15 =	simm.s32 $0x1880;
	v3 =	vadd.s32 v1, v3  }
0x14e: {  	[tilespmem:s15], [sflag:$0x1] =	stream.indirect_vreg.gather [hbm4b:s1+s3], $0x80, v4, vm0, $0xb8;
	[tilespmem:$0xC080] =	vst v63  }
0x14f: {  	s15 =	simm.s32 $0x2080  }
0x150: {  	[tilespmem:s15], [sflag:$0x1] =	stream.indirect_vreg.gather [hbm4b:s4+s3], $0x80, v4, vm1, $0xb8;
	[tilespmem:$0xC080] =	vst v63  }
0x151: {  	s15 =	simm.s32 $0x2480  }
0x152: {  	[tilespmem:s15], [sflag:$0x1] =	stream.indirect_vreg.gather [hbm4b:s1+s3], $0x80, v3, vm0, $0xb8;
	[tilespmem:$0xC080] =	vst v63  }
0x153: {  	s15 =	simm.s32 $0x2C80  }
0x154: {  	[tilespmem:s15], [sflag:$0x1] =	stream.indirect_vreg.gather [hbm4b:s4+s3], $0x80, v3, vm1, $0xb8;
	[tilespmem:$0xC080] =	vst v63  }
0x155: {  	v3 =	vld [tilespmem:$0x20];
	_ =	sdelay $0x4  }
0x156: {  	v18 =	vshrl.u32 v3, $0x3  }
0x157: {  	v4 =	vmul.u32 $0x18, v18  }
0x158: {  	v3 =	vand.u32 $0x7, v3  }
0x159: {  	v3 =	vor.u32 v3, v4  }
0x15a: {  	v4 =	vperm.xlane v3, v0;
	_ =	sdelay $0x1  }
0x15b: {  	v4 =	vadd.s32 v1, v4;
	_ =	sdelay $0x1  }
0x15c: {  	v3 =	vperm.xlane v3, v2;
	_ =	sdelay $0x1  }
0x15d: {  	v3 =	vadd.s32 v1, v3  }
0x15e: {  	[tilespmem:s23], [sflag:$0x1] =	stream.indirect_vreg.gather [hbm4b:s1+s3], $0x80, v4, vm0, $0xb8;
	[tilespmem:$0xC080] =	vst v63  }
0x15f: {  	_ = 	snop  }
0x160: {  	[tilespmem:s24], [sflag:$0x1] =	stream.indirect_vreg.gather [hbm4b:s4+s3], $0x80, v4, vm1, $0xb8;
	[tilespmem:$0xC080] =	vst v63  }
0x161: {  	_ = 	snop  }
0x162: {  	[tilespmem:s25], [sflag:$0x1] =	stream.indirect_vreg.gather [hbm4b:s1+s3], $0x80, v3, vm0, $0xb8;
	[tilespmem:$0xC080] =	vst v63  }
0x163: {  	_ = 	snop  }
0x164: {  	[tilespmem:s26], [sflag:$0x1] =	stream.indirect_vreg.gather [hbm4b:s4+s3], $0x80, v3, vm1, $0xb8;
	[tilespmem:$0xC080] =	vst v63  }
0x165: {  	v3 =	vld [tilespmem:$0x30];
	_ =	sdelay $0x4  }
0x166: {  	v19 =	vshrl.u32 v3, $0x3  }
0x167: {  	v4 =	vmul.u32 $0x18, v19  }
0x168: {  	v3 =	vand.u32 $0x7, v3  }
0x169: {  	v3 =	vor.u32 v3, v4  }
0x16a: {  	v4 =	vperm.xlane v3, v0;
	_ =	sdelay $0x1  }
0x16b: {  	v4 =	vadd.s32 v1, v4;
	_ =	sdelay $0x1  }
0x16c: {  	v3 =	vperm.xlane v3, v2;
	_ =	sdelay $0x1  }
0x16d: {  	v3 =	vadd.s32 v1, v3  }
0x16e: {  	[tilespmem:s28], [sflag:$0x1] =	stream.indirect_vreg.gather [hbm4b:s1+s3], $0x80, v4, vm0, $0xb8;
	[tilespmem:$0xC080] =	vst v63  }
0x16f: {  	_ = 	snop  }
0x170: {  	[tilespmem:s29], [sflag:$0x1] =	stream.indirect_vreg.gather [hbm4b:s4+s3], $0x80, v4, vm1, $0xb8;
	[tilespmem:$0xC080] =	vst v63  }
0x171: {  	_ = 	snop  }
0x172: {  	[tilespmem:s30], [sflag:$0x1] =	stream.indirect_vreg.gather [hbm4b:s1+s3], $0x80, v3, vm0, $0xb8;
	[tilespmem:$0xC080] =	vst v63  }
0x173: {  	_ = 	snop  }
0x174: {  	[tilespmem:s31], [sflag:$0x1] =	stream.indirect_vreg.gather [hbm4b:s4+s3], $0x80, v3, vm1, $0xb8;
	[tilespmem:$0xC080] =	vst v63  }
0x175: {  	v3 =	vld [tilespmem:$0x40];
	_ =	sdelay $0x4  }
0x176: {  	v20 =	vshrl.u32 v3, $0x3  }
0x177: {  	v4 =	vmul.u32 $0x18, v20  }
0x178: {  	v3 =	vand.u32 $0x7, v3  }
0x179: {  	v3 =	vor.u32 v3, v4  }
0x17a: {  	v4 =	vperm.xlane v3, v0;
	_ =	sdelay $0x1  }
0x17b: {  	v4 =	vadd.s32 v1, v4;
	_ =	sdelay $0x1  }
0x17c: {  	v3 =	vperm.xlane v3, v2;
	_ =	sdelay $0x1  }
0x17d: {  	v3 =	vadd.s32 v1, v3  }
0x17e: {  	[tilespmem:s11], [sflag:$0x1] =	stream.indirect_vreg.gather [hbm4b:s1+s3], $0x80, v4, vm0, $0xb8;
	[tilespmem:$0xC080] =	vst v63  }
0x17f: {  	_ = 	snop  }
0x180: {  	[tilespmem:s12], [sflag:$0x1] =	stream.indirect_vreg.gather [hbm4b:s4+s3], $0x80, v4, vm1, $0xb8;
	[tilespmem:$0xC080] =	vst v63  }
0x181: {  	_ = 	snop  }
0x182: {  	[tilespmem:s13], [sflag:$0x1] =	stream.indirect_vreg.gather [hbm4b:s1+s3], $0x80, v3, vm0, $0xb8;
	[tilespmem:$0xC080] =	vst v63  }
0x183: {  	s15 =	simm.s32 $0x7480  }
0x184: {  	[tilespmem:s15], [sflag:$0x1] =	stream.indirect_vreg.gather [hbm4b:s4+s3], $0x80, v3, vm1, $0xb8;
	[tilespmem:$0xC080] =	vst v63  }
0x185: {  	v3 =	vld [tilespmem:$0x50];
	_ =	sdelay $0x4  }
0x186: {  	v21 =	vshrl.u32 v3, $0x3  }
0x187: {  	v4 =	vmul.u32 $0x18, v21  }
0x188: {  	v3 =	vand.u32 $0x7, v3  }
0x189: {  	v3 =	vor.u32 v3, v4  }
0x18a: {  	v4 =	vperm.xlane v3, v0;
	_ =	sdelay $0x1  }
0x18b: {  	v4 =	vadd.s32 v1, v4;
	_ =	sdelay $0x1  }
0x18c: {  	v3 =	vperm.xlane v3, v2;
	_ =	sdelay $0x1  }
0x18d: {  	v3 =	vadd.s32 v1, v3  }
0x18e: {  	[tilespmem:s16], [sflag:$0x1] =	stream.indirect_vreg.gather [hbm4b:s1+s3], $0x80, v4, vm0, $0xb8;
	[tilespmem:$0xC080] =	vst v63  }
0x18f: {  	_ = 	snop  }
0x190: {  	[tilespmem:s17], [sflag:$0x1] =	stream.indirect_vreg.gather [hbm4b:s4+s3], $0x80, v4, vm1, $0xb8;
	[tilespmem:$0xC080] =	vst v63  }
0x191: {  	_ = 	snop  }
0x192: {  	[tilespmem:s18], [sflag:$0x1] =	stream.indirect_vreg.gather [hbm4b:s1+s3], $0x80, v3, vm0, $0xb8;
	[tilespmem:$0xC080] =	vst v63  }
0x193: {  	s21 =	simm.s32 $0x8C80  }
0x194: {  	[tilespmem:s21], [sflag:$0x1] =	stream.indirect_vreg.gather [hbm4b:s4+s3], $0x80, v3, vm1, $0xb8;
	[tilespmem:$0xC080] =	vst v63  }
0x195: {  	v3 =	vld [tilespmem:$0x60];
	_ =	sdelay $0x4  }
0x196: {  	v22 =	vshrl.u32 v3, $0x3  }
0x197: {  	v4 =	vmul.u32 $0x18, v22  }
0x198: {  	v3 =	vand.u32 $0x7, v3  }
0x199: {  	v3 =	vor.u32 v3, v4  }
0x19a: {  	v4 =	vperm.xlane v3, v0;
	_ =	sdelay $0x1  }
0x19b: {  	v4 =	vadd.s32 v1, v4;
	_ =	sdelay $0x1  }
0x19c: {  	v3 =	vperm.xlane v3, v2;
	_ =	sdelay $0x1  }
0x19d: {  	s0 =	simm.s32 $0x9080;
	v3 =	vadd.s32 v1, v3  }
0x19e: {  	[tilespmem:s0], [sflag:$0x1] =	stream.indirect_vreg.gather [hbm4b:s1+s3], $0x80, v4, vm0, $0xb8;
	[tilespmem:$0xC080] =	vst v63  }
0x19f: {  	s2 =	simm.s32 $0x9880  }
0x1a0: {  	[tilespmem:s2], [sflag:$0x1] =	stream.indirect_vreg.gather [hbm4b:s4+s3], $0x80, v4, vm1, $0xb8;
	[tilespmem:$0xC080] =	vst v63  }
0x1a1: {  	s5 =	simm.s32 $0x9C80  }
0x1a2: {  	[tilespmem:s5], [sflag:$0x1] =	stream.indirect_vreg.gather [hbm4b:s1+s3], $0x80, v3, vm0, $0xb8;
	[tilespmem:$0xC080] =	vst v63  }
0x1a3: {  	s19 =	simm.s32 $0xA480  }
0x1a4: {  	[tilespmem:s19], [sflag:$0x1] =	stream.indirect_vreg.gather [hbm4b:s4+s3], $0x80, v3, vm1, $0xb8;
	[tilespmem:$0xC080] =	vst v63  }
0x1a5: {  	v3 =	vld [tilespmem:$0x70];
	_ =	sdelay $0x4  }
0x1a6: {  	v23 =	vshrl.u32 v3, $0x3  }
0x1a7: {  	v4 =	vmul.u32 $0x18, v23  }
0x1a8: {  	v3 =	vand.u32 $0x7, v3  }
0x1a9: {  	v3 =	vor.u32 v3, v4  }
0x1aa: {  	v4 =	vperm.xlane v3, v0;
	_ =	sdelay $0x1  }
0x1ab: {  	v4 =	vadd.s32 v1, v4;
	_ =	sdelay $0x1  }
0x1ac: {  	v3 =	vperm.xlane v3, v2;
	_ =	sdelay $0x1  }
0x1ad: {  	s8 =	simm.s32 $0xA880;
	v3 =	vadd.s32 v1, v3  }
0x1ae: {  	[tilespmem:s8], [sflag:$0x1] =	stream.indirect_vreg.gather [hbm4b:s1+s3], $0x80, v4, vm0, $0xb8;
	[tilespmem:$0xC080] =	vst v63  }
0x1af: {  	s9 =	simm.s32 $0xB080  }
0x1b0: {  	[tilespmem:s9], [sflag:$0x1] =	stream.indirect_vreg.gather [hbm4b:s4+s3], $0x80, v4, vm1, $0xb8;
	[tilespmem:$0xC080] =	vst v63  }
0x1b1: {  	s10 =	simm.s32 $0xB480  }
0x1b2: {  	[tilespmem:s10], [sflag:$0x1] =	stream.indirect_vreg.gather [hbm4b:s1+s3], $0x80, v3, vm0, $0xb8;
	[tilespmem:$0xC080] =	vst v63  }
0x1b3: {  	s20 =	simm.s32 $0xBC80  }
0x1b4: {  	[tilespmem:s20], [sflag:$0x1] =	stream.indirect_vreg.gather [hbm4b:s4+s3], $0x80, v3, vm1, $0xb8;
	[tilespmem:$0xC080] =	vst v63  }
0x1b5: {  	_ =	swait.ge [sflag:s14], $0xC000  }
0x1b6: {  	[sflag:s14] =	ssyncset.done $0x0  }
0x1b7: {  	s15 =	rddreg [dreg:$0x9];
	[sflag:s14] =	ssyncadd.s32 $0xFFFF4000  }
0x1b8: {  	[hbm4b:s15+s3] =	stream.linear.scatter [tilespmem:s7], [sflag:$0x2], $0xC000, $0x38;
	[tilespmem:$0xC080] =	vst v63  }
0x1b9: {  	_ =	swait.ge [sflag:s6], $0xC000  }
0x1ba: {  	[sflag:s6] =	ssyncset.done $0x0  }
0x1bb: {  	s15 =	rddreg [dreg:$0xa];
	[sflag:s6] =	ssyncadd.s32 $0xFFFF4000  }
0x1bc: {  	[tilespmem:s3], [sflag:$0x2] =	stream.linear.gather [hbm4b:s15+s3], $0x80, $0x38;
	[tilespmem:$0xC080] =	vst v63  }
0x1bd: {  	_ =	swait.ge [sflag:s6], $0x80  }
0x1be: {  	[sflag:s6] =	ssyncset.done $0x0  }
0x1bf: {  	[sflag:s6] =	ssyncadd.s32 $0xFFFFFF80  }
0x1c0: {  	v3 =	vld [tilespmem:$0x0];
	_ =	sdelay $0x4  }
0x1c1: {  	v24 =	vshrl.u32 v3, $0x3  }
0x1c2: {  	v4 =	vmul.u32 $0x18, v24  }
0x1c3: {  	v3 =	vand.u32 $0x7, v3  }
0x1c4: {  	v3 =	vor.u32 v3, v4  }
0x1c5: {  	v4 =	vperm.xlane v3, v0;
	_ =	sdelay $0x1  }
0x1c6: {  	v4 =	vadd.s32 v1, v4;
	_ =	sdelay $0x1  }
0x1c7: {  	v3 =	vperm.xlane v3, v2;
	_ =	sdelay $0x1  }
0x1c8: {  	v3 =	vadd.s32 v1, v3  }
0x1c9: {  	[tilespmem:s7], [sflag:$0x1] =	stream.indirect_vreg.gather [hbm4b:s1+s3], $0x80, v4, vm0, $0xb8;
	[tilespmem:$0xC080] =	vst v63  }
0x1ca: {  	s15 =	simm.s32 $0x880  }
0x1cb: {  	[tilespmem:s15], [sflag:$0x1] =	stream.indirect_vreg.gather [hbm4b:s4+s3], $0x80, v4, vm1, $0xb8;
	[tilespmem:$0xC080] =	vst v63  }
0x1cc: {  	s15 =	simm.s32 $0xC80  }
0x1cd: {  	[tilespmem:s15], [sflag:$0x1] =	stream.indirect_vreg.gather [hbm4b:s1+s3], $0x80, v3, vm0, $0xb8;
	[tilespmem:$0xC080] =	vst v63  }
0x1ce: {  	s22 =	simm.s32 $0x1480  }
0x1cf: {  	[tilespmem:s22], [sflag:$0x1] =	stream.indirect_vreg.gather [hbm4b:s4+s3], $0x80, v3, vm1, $0xb8;
	[tilespmem:$0xC080] =	vst v63  }
0x1d0: {  	v3 =	vld [tilespmem:$0x10];
	_ =	sdelay $0x4  }
0x1d1: {  	v25 =	vshrl.u32 v3, $0x3  }
0x1d2: {  	v4 =	vmul.u32 $0x18, v25  }
0x1d3: {  	v3 =	vand.u32 $0x7, v3  }
0x1d4: {  	v3 =	vor.u32 v3, v4  }
0x1d5: {  	v4 =	vperm.xlane v3, v0;
	_ =	sdelay $0x1  }
0x1d6: {  	v4 =	vadd.s32 v1, v4;
	_ =	sdelay $0x1  }
0x1d7: {  	v3 =	vperm.xlane v3, v2;
	_ =	sdelay $0x1  }
0x1d8: {  	s15 =	simm.s32 $0x1880;
	v3 =	vadd.s32 v1, v3  }
0x1d9: {  	[tilespmem:s15], [sflag:$0x1] =	stream.indirect_vreg.gather [hbm4b:s1+s3], $0x80, v4, vm0, $0xb8;
	[tilespmem:$0xC080] =	vst v63  }
0x1da: {  	s15 =	simm.s32 $0x2080  }
0x1db: {  	[tilespmem:s15], [sflag:$0x1] =	stream.indirect_vreg.gather [hbm4b:s4+s3], $0x80, v4, vm1, $0xb8;
	[tilespmem:$0xC080] =	vst v63  }
0x1dc: {  	s15 =	simm.s32 $0x2480  }
0x1dd: {  	[tilespmem:s15], [sflag:$0x1] =	stream.indirect_vreg.gather [hbm4b:s1+s3], $0x80, v3, vm0, $0xb8;
	[tilespmem:$0xC080] =	vst v63  }
0x1de: {  	s15 =	simm.s32 $0x2C80  }
0x1df: {  	[tilespmem:s15], [sflag:$0x1] =	stream.indirect_vreg.gather [hbm4b:s4+s3], $0x80, v3, vm1, $0xb8;
	[tilespmem:$0xC080] =	vst v63  }
0x1e0: {  	v3 =	vld [tilespmem:$0x20];
	_ =	sdelay $0x4  }
0x1e1: {  	v26 =	vshrl.u32 v3, $0x3  }
0x1e2: {  	v4 =	vmul.u32 $0x18, v26  }
0x1e3: {  	v3 =	vand.u32 $0x7, v3  }
0x1e4: {  	v3 =	vor.u32 v3, v4  }
0x1e5: {  	v4 =	vperm.xlane v3, v0;
	_ =	sdelay $0x1  }
0x1e6: {  	v4 =	vadd.s32 v1, v4;
	_ =	sdelay $0x1  }
0x1e7: {  	v3 =	vperm.xlane v3, v2;
	_ =	sdelay $0x1  }
0x1e8: {  	s23 =	simm.s32 $0x3080;
	v3 =	vadd.s32 v1, v3  }
0x1e9: {  	[tilespmem:s23], [sflag:$0x1] =	stream.indirect_vreg.gather [hbm4b:s1+s3], $0x80, v4, vm0, $0xb8;
	[tilespmem:$0xC080] =	vst v63  }
0x1ea: {  	s24 =	simm.s32 $0x3880  }
0x1eb: {  	[tilespmem:s24], [sflag:$0x1] =	stream.indirect_vreg.gather [hbm4b:s4+s3], $0x80, v4, vm1, $0xb8;
	[tilespmem:$0xC080] =	vst v63  }
0x1ec: {  	s25 =	simm.s32 $0x3C80  }
0x1ed: {  	[tilespmem:s25], [sflag:$0x1] =	stream.indirect_vreg.gather [hbm4b:s1+s3], $0x80, v3, vm0, $0xb8;
	[tilespmem:$0xC080] =	vst v63  }
0x1ee: {  	s26 =	simm.s32 $0x4480  }
0x1ef: {  	[tilespmem:s26], [sflag:$0x1] =	stream.indirect_vreg.gather [hbm4b:s4+s3], $0x80, v3, vm1, $0xb8;
	[tilespmem:$0xC080] =	vst v63  }
0x1f0: {  	v3 =	vld [tilespmem:$0x30];
	_ =	sdelay $0x4  }
0x1f1: {  	v27 =	vshrl.u32 v3, $0x3  }
0x1f2: {  	v4 =	vmul.u32 $0x18, v27  }
0x1f3: {  	v3 =	vand.u32 $0x7, v3  }
0x1f4: {  	v3 =	vor.u32 v3, v4  }
0x1f5: {  	v4 =	vperm.xlane v3, v0;
	_ =	sdelay $0x1  }
0x1f6: {  	v4 =	vadd.s32 v1, v4;
	_ =	sdelay $0x1  }
0x1f7: {  	v3 =	vperm.xlane v3, v2;
	_ =	sdelay $0x1  }
0x1f8: {  	s28 =	simm.s32 $0x4880;
	v3 =	vadd.s32 v1, v3  }
0x1f9: {  	[tilespmem:s28], [sflag:$0x1] =	stream.indirect_vreg.gather [hbm4b:s1+s3], $0x80, v4, vm0, $0xb8;
	[tilespmem:$0xC080] =	vst v63  }
0x1fa: {  	s29 =	simm.s32 $0x5080  }
0x1fb: {  	[tilespmem:s29], [sflag:$0x1] =	stream.indirect_vreg.gather [hbm4b:s4+s3], $0x80, v4, vm1, $0xb8;
	[tilespmem:$0xC080] =	vst v63  }
0x1fc: {  	s30 =	simm.s32 $0x5480  }
0x1fd: {  	[tilespmem:s30], [sflag:$0x1] =	stream.indirect_vreg.gather [hbm4b:s1+s3], $0x80, v3, vm0, $0xb8;
	[tilespmem:$0xC080] =	vst v63  }
0x1fe: {  	s31 =	simm.s32 $0x5C80  }
0x1ff: {  	[tilespmem:s31], [sflag:$0x1] =	stream.indirect_vreg.gather [hbm4b:s4+s3], $0x80, v3, vm1, $0xb8;
	[tilespmem:$0xC080] =	vst v63  }
0x200: {  	v3 =	vld [tilespmem:$0x40];
	_ =	sdelay $0x4  }
0x201: {  	v28 =	vshrl.u32 v3, $0x3  }
0x202: {  	v4 =	vmul.u32 $0x18, v28  }
0x203: {  	v3 =	vand.u32 $0x7, v3  }
0x204: {  	v3 =	vor.u32 v3, v4  }
0x205: {  	v4 =	vperm.xlane v3, v0;
	_ =	sdelay $0x1  }
0x206: {  	v4 =	vadd.s32 v1, v4;
	_ =	sdelay $0x1  }
0x207: {  	v3 =	vperm.xlane v3, v2;
	_ =	sdelay $0x1  }
0x208: {  	s11 =	simm.s32 $0x6080;
	v3 =	vadd.s32 v1, v3  }
0x209: {  	[tilespmem:s11], [sflag:$0x1] =	stream.indirect_vreg.gather [hbm4b:s1+s3], $0x80, v4, vm0, $0xb8;
	[tilespmem:$0xC080] =	vst v63  }
0x20a: {  	s12 =	simm.s32 $0x6880  }
0x20b: {  	[tilespmem:s12], [sflag:$0x1] =	stream.indirect_vreg.gather [hbm4b:s4+s3], $0x80, v4, vm1, $0xb8;
	[tilespmem:$0xC080] =	vst v63  }
0x20c: {  	s13 =	simm.s32 $0x6C80  }
0x20d: {  	[tilespmem:s13], [sflag:$0x1] =	stream.indirect_vreg.gather [hbm4b:s1+s3], $0x80, v3, vm0, $0xb8;
	[tilespmem:$0xC080] =	vst v63  }
0x20e: {  	s15 =	simm.s32 $0x7480  }
0x20f: {  	[tilespmem:s15], [sflag:$0x1] =	stream.indirect_vreg.gather [hbm4b:s4+s3], $0x80, v3, vm1, $0xb8;
	[tilespmem:$0xC080] =	vst v63  }
0x210: {  	v3 =	vld [tilespmem:$0x50];
	_ =	sdelay $0x4  }
0x211: {  	v29 =	vshrl.u32 v3, $0x3  }
0x212: {  	v4 =	vmul.u32 $0x18, v29  }
0x213: {  	v3 =	vand.u32 $0x7, v3  }
0x214: {  	v3 =	vor.u32 v3, v4  }
0x215: {  	v4 =	vperm.xlane v3, v0;
	_ =	sdelay $0x1  }
0x216: {  	v4 =	vadd.s32 v1, v4;
	_ =	sdelay $0x1  }
0x217: {  	v3 =	vperm.xlane v3, v2;
	_ =	sdelay $0x1  }
0x218: {  	s16 =	simm.s32 $0x7880;
	v3 =	vadd.s32 v1, v3  }
0x219: {  	[tilespmem:s16], [sflag:$0x1] =	stream.indirect_vreg.gather [hbm4b:s1+s3], $0x80, v4, vm0, $0xb8;
	[tilespmem:$0xC080] =	vst v63  }
0x21a: {  	s17 =	simm.s32 $0x8080  }
0x21b: {  	[tilespmem:s17], [sflag:$0x1] =	stream.indirect_vreg.gather [hbm4b:s4+s3], $0x80, v4, vm1, $0xb8;
	[tilespmem:$0xC080] =	vst v63  }
0x21c: {  	s18 =	simm.s32 $0x8480  }
0x21d: {  	[tilespmem:s18], [sflag:$0x1] =	stream.indirect_vreg.gather [hbm4b:s1+s3], $0x80, v3, vm0, $0xb8;
	[tilespmem:$0xC080] =	vst v63  }
0x21e: {  	s21 =	simm.s32 $0x8C80  }
0x21f: {  	[tilespmem:s21], [sflag:$0x1] =	stream.indirect_vreg.gather [hbm4b:s4+s3], $0x80, v3, vm1, $0xb8;
	[tilespmem:$0xC080] =	vst v63  }
0x220: {  	v3 =	vld [tilespmem:$0x60];
	_ =	sdelay $0x4  }
0x221: {  	v30 =	vshrl.u32 v3, $0x3  }
0x222: {  	v4 =	vmul.u32 $0x18, v30  }
0x223: {  	v3 =	vand.u32 $0x7, v3  }
0x224: {  	v3 =	vor.u32 v3, v4  }
0x225: {  	v4 =	vperm.xlane v3, v0;
	_ =	sdelay $0x1  }
0x226: {  	v4 =	vadd.s32 v1, v4;
	_ =	sdelay $0x1  }
0x227: {  	v3 =	vperm.xlane v3, v2;
	_ =	sdelay $0x1  }
0x228: {  	s0 =	simm.s32 $0x9080;
	v3 =	vadd.s32 v1, v3  }
0x229: {  	[tilespmem:s0], [sflag:$0x1] =	stream.indirect_vreg.gather [hbm4b:s1+s3], $0x80, v4, vm0, $0xb8;
	[tilespmem:$0xC080] =	vst v63  }
0x22a: {  	s2 =	simm.s32 $0x9880  }
0x22b: {  	[tilespmem:s2], [sflag:$0x1] =	stream.indirect_vreg.gather [hbm4b:s4+s3], $0x80, v4, vm1, $0xb8;
	[tilespmem:$0xC080] =	vst v63  }
0x22c: {  	s5 =	simm.s32 $0x9C80  }
0x22d: {  	[tilespmem:s5], [sflag:$0x1] =	stream.indirect_vreg.gather [hbm4b:s1+s3], $0x80, v3, vm0, $0xb8;
	[tilespmem:$0xC080] =	vst v63  }
0x22e: {  	s19 =	simm.s32 $0xA480  }
0x22f: {  	[tilespmem:s19], [sflag:$0x1] =	stream.indirect_vreg.gather [hbm4b:s4+s3], $0x80, v3, vm1, $0xb8;
	[tilespmem:$0xC080] =	vst v63  }
0x230: {  	v3 =	vld [tilespmem:$0x70];
	_ =	sdelay $0x4  }
0x231: {  	v31 =	vshrl.u32 v3, $0x3  }
0x232: {  	v4 =	vmul.u32 $0x18, v31  }
0x233: {  	v3 =	vand.u32 $0x7, v3  }
0x234: {  	v3 =	vor.u32 v3, v4  }
0x235: {  	v4 =	vperm.xlane v3, v0;
	_ =	sdelay $0x1  }
0x236: {  	v4 =	vadd.s32 v1, v4;
	_ =	sdelay $0x1  }
0x237: {  	v3 =	vperm.xlane v3, v2;
	_ =	sdelay $0x1  }
0x238: {  	s8 =	simm.s32 $0xA880;
	v3 =	vadd.s32 v1, v3  }
0x239: {  	[tilespmem:s8], [sflag:$0x1] =	stream.indirect_vreg.gather [hbm4b:s1+s3], $0x80, v4, vm0, $0xb8;
	[tilespmem:$0xC080] =	vst v63  }
0x23a: {  	s9 =	simm.s32 $0xB080  }
0x23b: {  	[tilespmem:s9], [sflag:$0x1] =	stream.indirect_vreg.gather [hbm4b:s4+s3], $0x80, v4, vm1, $0xb8;
	[tilespmem:$0xC080] =	vst v63  }
0x23c: {  	s10 =	simm.s32 $0xB480  }
0x23d: {  	[tilespmem:s10], [sflag:$0x1] =	stream.indirect_vreg.gather [hbm4b:s1+s3], $0x80, v3, vm0, $0xb8;
	[tilespmem:$0xC080] =	vst v63  }
0x23e: {  	s20 =	simm.s32 $0xBC80  }
0x23f: {  	[tilespmem:s20], [sflag:$0x1] =	stream.indirect_vreg.gather [hbm4b:s4+s3], $0x80, v3, vm1, $0xb8;
	[tilespmem:$0xC080] =	vst v63  }
0x240: {  	_ =	swait.ge [sflag:s14], $0xC000  }
0x241: {  	[sflag:s14] =	ssyncset.done $0x0  }
0x242: {  	s15 =	rddreg [dreg:$0xb];
	[sflag:s14] =	ssyncadd.s32 $0xFFFF4000  }
0x243: {  	[hbm4b:s15+s3] =	stream.linear.scatter [tilespmem:s7], [sflag:$0x2], $0xC000, $0x38;
	[tilespmem:$0xC080] =	vst v63  }
0x244: {  	_ =	swait.ge [sflag:s6], $0xC000  }
0x245: {  	[sflag:s6] =	ssyncset.done $0x0  }
0x246: {  	s15 =	rddreg [dreg:$0xc];
	[sflag:s6] =	ssyncadd.s32 $0xFFFF4000  }
0x247: {  	[tilespmem:s3], [sflag:$0x2] =	stream.linear.gather [hbm4b:s15+s3], $0x80, $0x38;
	[tilespmem:$0xC080] =	vst v63  }
0x248: {  	_ =	swait.ge [sflag:s6], $0x80  }
0x249: {  	[sflag:s6] =	ssyncset.done $0x0  }
0x24a: {  	[sflag:s6] =	ssyncadd.s32 $0xFFFFFF80  }
0x24b: {  	v3 =	vld [tilespmem:$0x0];
	_ =	sdelay $0x4  }
0x24c: {  	v32 =	vshrl.u32 v3, $0x3  }
0x24d: {  	v4 =	vmul.u32 $0x18, v32  }
0x24e: {  	v3 =	vand.u32 $0x7, v3  }
0x24f: {  	v3 =	vor.u32 v3, v4  }
0x250: {  	v4 =	vperm.xlane v3, v0;
	_ =	sdelay $0x1  }
0x251: {  	v4 =	vadd.s32 v1, v4;
	_ =	sdelay $0x1  }
0x252: {  	v3 =	vperm.xlane v3, v2;
	_ =	sdelay $0x1  }
0x253: {  	v3 =	vadd.s32 v1, v3  }
0x254: {  	[tilespmem:s7], [sflag:$0x1] =	stream.indirect_vreg.gather [hbm4b:s1+s3], $0x80, v4, vm0, $0xb8;
	[tilespmem:$0xC080] =	vst v63  }
0x255: {  	s15 =	simm.s32 $0x880  }
0x256: {  	[tilespmem:s15], [sflag:$0x1] =	stream.indirect_vreg.gather [hbm4b:s4+s3], $0x80, v4, vm1, $0xb8;
	[tilespmem:$0xC080] =	vst v63  }
0x257: {  	s15 =	simm.s32 $0xC80  }
0x258: {  	[tilespmem:s15], [sflag:$0x1] =	stream.indirect_vreg.gather [hbm4b:s1+s3], $0x80, v3, vm0, $0xb8;
	[tilespmem:$0xC080] =	vst v63  }
0x259: {  	s22 =	simm.s32 $0x1480  }
0x25a: {  	[tilespmem:s22], [sflag:$0x1] =	stream.indirect_vreg.gather [hbm4b:s4+s3], $0x80, v3, vm1, $0xb8;
	[tilespmem:$0xC080] =	vst v63  }
0x25b: {  	v3 =	vld [tilespmem:$0x10];
	_ =	sdelay $0x4  }
0x25c: {  	v33 =	vshrl.u32 v3, $0x3  }
0x25d: {  	v4 =	vmul.u32 $0x18, v33  }
0x25e: {  	v3 =	vand.u32 $0x7, v3  }
0x25f: {  	v3 =	vor.u32 v3, v4  }
0x260: {  	v4 =	vperm.xlane v3, v0;
	_ =	sdelay $0x1  }
0x261: {  	v4 =	vadd.s32 v1, v4;
	_ =	sdelay $0x1  }
0x262: {  	v3 =	vperm.xlane v3, v2;
	_ =	sdelay $0x1  }
0x263: {  	s15 =	simm.s32 $0x1880;
	v3 =	vadd.s32 v1, v3  }
0x264: {  	[tilespmem:s15], [sflag:$0x1] =	stream.indirect_vreg.gather [hbm4b:s1+s3], $0x80, v4, vm0, $0xb8;
	[tilespmem:$0xC080] =	vst v63  }
0x265: {  	s15 =	simm.s32 $0x2080  }
0x266: {  	[tilespmem:s15], [sflag:$0x1] =	stream.indirect_vreg.gather [hbm4b:s4+s3], $0x80, v4, vm1, $0xb8;
	[tilespmem:$0xC080] =	vst v63  }
0x267: {  	s15 =	simm.s32 $0x2480  }
0x268: {  	[tilespmem:s15], [sflag:$0x1] =	stream.indirect_vreg.gather [hbm4b:s1+s3], $0x80, v3, vm0, $0xb8;
	[tilespmem:$0xC080] =	vst v63  }
0x269: {  	s15 =	simm.s32 $0x2C80  }
0x26a: {  	[tilespmem:s15], [sflag:$0x1] =	stream.indirect_vreg.gather [hbm4b:s4+s3], $0x80, v3, vm1, $0xb8;
	[tilespmem:$0xC080] =	vst v63  }
0x26b: {  	v3 =	vld [tilespmem:$0x20];
	_ =	sdelay $0x4  }
0x26c: {  	v34 =	vshrl.u32 v3, $0x3  }
0x26d: {  	v4 =	vmul.u32 $0x18, v34  }
0x26e: {  	v3 =	vand.u32 $0x7, v3  }
0x26f: {  	v3 =	vor.u32 v3, v4  }
0x270: {  	v4 =	vperm.xlane v3, v0;
	_ =	sdelay $0x1  }
0x271: {  	v4 =	vadd.s32 v1, v4;
	_ =	sdelay $0x1  }
0x272: {  	v3 =	vperm.xlane v3, v2;
	_ =	sdelay $0x1  }
0x273: {  	s23 =	simm.s32 $0x3080;
	v3 =	vadd.s32 v1, v3  }
0x274: {  	[tilespmem:s23], [sflag:$0x1] =	stream.indirect_vreg.gather [hbm4b:s1+s3], $0x80, v4, vm0, $0xb8;
	[tilespmem:$0xC080] =	vst v63  }
0x275: {  	s24 =	simm.s32 $0x3880  }
0x276: {  	[tilespmem:s24], [sflag:$0x1] =	stream.indirect_vreg.gather [hbm4b:s4+s3], $0x80, v4, vm1, $0xb8;
	[tilespmem:$0xC080] =	vst v63  }
0x277: {  	s25 =	simm.s32 $0x3C80  }
0x278: {  	[tilespmem:s25], [sflag:$0x1] =	stream.indirect_vreg.gather [hbm4b:s1+s3], $0x80, v3, vm0, $0xb8;
	[tilespmem:$0xC080] =	vst v63  }
0x279: {  	s26 =	simm.s32 $0x4480  }
0x27a: {  	[tilespmem:s26], [sflag:$0x1] =	stream.indirect_vreg.gather [hbm4b:s4+s3], $0x80, v3, vm1, $0xb8;
	[tilespmem:$0xC080] =	vst v63  }
0x27b: {  	v3 =	vld [tilespmem:$0x30];
	_ =	sdelay $0x4  }
0x27c: {  	v35 =	vshrl.u32 v3, $0x3  }
0x27d: {  	v4 =	vmul.u32 $0x18, v35  }
0x27e: {  	v3 =	vand.u32 $0x7, v3  }
0x27f: {  	v3 =	vor.u32 v3, v4  }
0x280: {  	v4 =	vperm.xlane v3, v0;
	_ =	sdelay $0x1  }
0x281: {  	v4 =	vadd.s32 v1, v4;
	_ =	sdelay $0x1  }
0x282: {  	v3 =	vperm.xlane v3, v2;
	_ =	sdelay $0x1  }
0x283: {  	s28 =	simm.s32 $0x4880;
	v3 =	vadd.s32 v1, v3  }
0x284: {  	[tilespmem:s28], [sflag:$0x1] =	stream.indirect_vreg.gather [hbm4b:s1+s3], $0x80, v4, vm0, $0xb8;
	[tilespmem:$0xC080] =	vst v63  }
0x285: {  	s29 =	simm.s32 $0x5080  }
0x286: {  	[tilespmem:s29], [sflag:$0x1] =	stream.indirect_vreg.gather [hbm4b:s4+s3], $0x80, v4, vm1, $0xb8;
	[tilespmem:$0xC080] =	vst v63  }
0x287: {  	s30 =	simm.s32 $0x5480  }
0x288: {  	[tilespmem:s30], [sflag:$0x1] =	stream.indirect_vreg.gather [hbm4b:s1+s3], $0x80, v3, vm0, $0xb8;
	[tilespmem:$0xC080] =	vst v63  }
0x289: {  	s31 =	simm.s32 $0x5C80  }
0x28a: {  	[tilespmem:s31], [sflag:$0x1] =	stream.indirect_vreg.gather [hbm4b:s4+s3], $0x80, v3, vm1, $0xb8;
	[tilespmem:$0xC080] =	vst v63  }
0x28b: {  	v3 =	vld [tilespmem:$0x40];
	_ =	sdelay $0x4  }
0x28c: {  	v36 =	vshrl.u32 v3, $0x3  }
0x28d: {  	v4 =	vmul.u32 $0x18, v36  }
0x28e: {  	v3 =	vand.u32 $0x7, v3  }
0x28f: {  	v3 =	vor.u32 v3, v4  }
0x290: {  	v4 =	vperm.xlane v3, v0;
	_ =	sdelay $0x1  }
0x291: {  	v4 =	vadd.s32 v1, v4;
	_ =	sdelay $0x1  }
0x292: {  	v3 =	vperm.xlane v3, v2;
	_ =	sdelay $0x1  }
0x293: {  	s11 =	simm.s32 $0x6080;
	v3 =	vadd.s32 v1, v3  }
0x294: {  	[tilespmem:s11], [sflag:$0x1] =	stream.indirect_vreg.gather [hbm4b:s1+s3], $0x80, v4, vm0, $0xb8;
	[tilespmem:$0xC080] =	vst v63  }
0x295: {  	s12 =	simm.s32 $0x6880  }
0x296: {  	[tilespmem:s12], [sflag:$0x1] =	stream.indirect_vreg.gather [hbm4b:s4+s3], $0x80, v4, vm1, $0xb8;
	[tilespmem:$0xC080] =	vst v63  }
0x297: {  	s13 =	simm.s32 $0x6C80  }
0x298: {  	[tilespmem:s13], [sflag:$0x1] =	stream.indirect_vreg.gather [hbm4b:s1+s3], $0x80, v3, vm0, $0xb8;
	[tilespmem:$0xC080] =	vst v63  }
0x299: {  	s15 =	simm.s32 $0x7480  }
0x29a: {  	[tilespmem:s15], [sflag:$0x1] =	stream.indirect_vreg.gather [hbm4b:s4+s3], $0x80, v3, vm1, $0xb8;
	[tilespmem:$0xC080] =	vst v63  }
0x29b: {  	v3 =	vld [tilespmem:$0x50];
	_ =	sdelay $0x4  }
0x29c: {  	v37 =	vshrl.u32 v3, $0x3  }
0x29d: {  	v4 =	vmul.u32 $0x18, v37  }
0x29e: {  	v3 =	vand.u32 $0x7, v3  }
0x29f: {  	v3 =	vor.u32 v3, v4  }
0x2a0: {  	v4 =	vperm.xlane v3, v0;
	_ =	sdelay $0x1  }
0x2a1: {  	v4 =	vadd.s32 v1, v4;
	_ =	sdelay $0x1  }
0x2a2: {  	v3 =	vperm.xlane v3, v2;
	_ =	sdelay $0x1  }
0x2a3: {  	s16 =	simm.s32 $0x7880;
	v3 =	vadd.s32 v1, v3  }
0x2a4: {  	[tilespmem:s16], [sflag:$0x1] =	stream.indirect_vreg.gather [hbm4b:s1+s3], $0x80, v4, vm0, $0xb8;
	[tilespmem:$0xC080] =	vst v63  }
0x2a5: {  	s17 =	simm.s32 $0x8080  }
0x2a6: {  	[tilespmem:s17], [sflag:$0x1] =	stream.indirect_vreg.gather [hbm4b:s4+s3], $0x80, v4, vm1, $0xb8;
	[tilespmem:$0xC080] =	vst v63  }
0x2a7: {  	s18 =	simm.s32 $0x8480  }
0x2a8: {  	[tilespmem:s18], [sflag:$0x1] =	stream.indirect_vreg.gather [hbm4b:s1+s3], $0x80, v3, vm0, $0xb8;
	[tilespmem:$0xC080] =	vst v63  }
0x2a9: {  	s21 =	simm.s32 $0x8C80  }
0x2aa: {  	[tilespmem:s21], [sflag:$0x1] =	stream.indirect_vreg.gather [hbm4b:s4+s3], $0x80, v3, vm1, $0xb8;
	[tilespmem:$0xC080] =	vst v63  }
0x2ab: {  	v3 =	vld [tilespmem:$0x60];
	_ =	sdelay $0x4  }
0x2ac: {  	v38 =	vshrl.u32 v3, $0x3  }
0x2ad: {  	v4 =	vmul.u32 $0x18, v38  }
0x2ae: {  	v3 =	vand.u32 $0x7, v3  }
0x2af: {  	v3 =	vor.u32 v3, v4  }
0x2b0: {  	v4 =	vperm.xlane v3, v0;
	_ =	sdelay $0x1  }
0x2b1: {  	v4 =	vadd.s32 v1, v4;
	_ =	sdelay $0x1  }
0x2b2: {  	v3 =	vperm.xlane v3, v2;
	_ =	sdelay $0x1  }
0x2b3: {  	s0 =	simm.s32 $0x9080;
	v3 =	vadd.s32 v1, v3  }
0x2b4: {  	[tilespmem:s0], [sflag:$0x1] =	stream.indirect_vreg.gather [hbm4b:s1+s3], $0x80, v4, vm0, $0xb8;
	[tilespmem:$0xC080] =	vst v63  }
0x2b5: {  	s2 =	simm.s32 $0x9880  }
0x2b6: {  	[tilespmem:s2], [sflag:$0x1] =	stream.indirect_vreg.gather [hbm4b:s4+s3], $0x80, v4, vm1, $0xb8;
	[tilespmem:$0xC080] =	vst v63  }
0x2b7: {  	s5 =	simm.s32 $0x9C80  }
0x2b8: {  	[tilespmem:s5], [sflag:$0x1] =	stream.indirect_vreg.gather [hbm4b:s1+s3], $0x80, v3, vm0, $0xb8;
	[tilespmem:$0xC080] =	vst v63  }
0x2b9: {  	s19 =	simm.s32 $0xA480  }
0x2ba: {  	[tilespmem:s19], [sflag:$0x1] =	stream.indirect_vreg.gather [hbm4b:s4+s3], $0x80, v3, vm1, $0xb8;
	[tilespmem:$0xC080] =	vst v63  }
0x2bb: {  	v3 =	vld [tilespmem:$0x70];
	_ =	sdelay $0x4  }
0x2bc: {  	v39 =	vshrl.u32 v3, $0x3  }
0x2bd: {  	v4 =	vmul.u32 $0x18, v39  }
0x2be: {  	v3 =	vand.u32 $0x7, v3  }
0x2bf: {  	v3 =	vor.u32 v3, v4  }
0x2c0: {  	v4 =	vperm.xlane v3, v0;
	_ =	sdelay $0x1  }
0x2c1: {  	v4 =	vadd.s32 v1, v4;
	_ =	sdelay $0x1  }
0x2c2: {  	v3 =	vperm.xlane v3, v2;
	_ =	sdelay $0x1  }
0x2c3: {  	s8 =	simm.s32 $0xA880;
	v3 =	vadd.s32 v1, v3  }
0x2c4: {  	[tilespmem:s8], [sflag:$0x1] =	stream.indirect_vreg.gather [hbm4b:s1+s3], $0x80, v4, vm0, $0xb8;
	[tilespmem:$0xC080] =	vst v63  }
0x2c5: {  	s9 =	simm.s32 $0xB080  }
0x2c6: {  	[tilespmem:s9], [sflag:$0x1] =	stream.indirect_vreg.gather [hbm4b:s4+s3], $0x80, v4, vm1, $0xb8;
	[tilespmem:$0xC080] =	vst v63  }
0x2c7: {  	s10 =	simm.s32 $0xB480  }
0x2c8: {  	[tilespmem:s10], [sflag:$0x1] =	stream.indirect_vreg.gather [hbm4b:s1+s3], $0x80, v3, vm0, $0xb8;
	[tilespmem:$0xC080] =	vst v63  }
0x2c9: {  	s20 =	simm.s32 $0xBC80  }
0x2ca: {  	[tilespmem:s20], [sflag:$0x1] =	stream.indirect_vreg.gather [hbm4b:s4+s3], $0x80, v3, vm1, $0xb8;
	[tilespmem:$0xC080] =	vst v63  }
0x2cb: {  	_ =	swait.ge [sflag:s14], $0xC000  }
0x2cc: {  	[sflag:s14] =	ssyncset.done $0x0  }
0x2cd: {  	s15 =	rddreg [dreg:$0xd];
	[sflag:s14] =	ssyncadd.s32 $0xFFFF4000  }
0x2ce: {  	[hbm4b:s15+s3] =	stream.linear.scatter [tilespmem:s7], [sflag:$0x2], $0xC000, $0x38;
	[tilespmem:$0xC080] =	vst v63  }
0x2cf: {  	_ =	swait.ge [sflag:s6], $0xC000  }
0x2d0: {  	[sflag:s6] =	ssyncset.done $0x0  }
0x2d1: {  	s15 =	rddreg [dreg:$0xe];
	[sflag:s6] =	ssyncadd.s32 $0xFFFF4000  }
0x2d2: {  	[tilespmem:s3], [sflag:$0x2] =	stream.linear.gather [hbm4b:s15+s3], $0x80, $0x38;
	[tilespmem:$0xC080] =	vst v63  }
0x2d3: {  	_ =	swait.ge [sflag:s6], $0x80  }
0x2d4: {  	[sflag:s6] =	ssyncset.done $0x0  }
0x2d5: {  	[sflag:s6] =	ssyncadd.s32 $0xFFFFFF80  }
0x2d6: {  	v3 =	vld [tilespmem:$0x0];
	_ =	sdelay $0x4  }
0x2d7: {  	v40 =	vshrl.u32 v3, $0x3  }
0x2d8: {  	v4 =	vmul.u32 $0x18, v40  }
0x2d9: {  	v3 =	vand.u32 $0x7, v3  }
0x2da: {  	v3 =	vor.u32 v3, v4  }
0x2db: {  	v4 =	vperm.xlane v3, v0;
	_ =	sdelay $0x1  }
0x2dc: {  	v4 =	vadd.s32 v1, v4;
	_ =	sdelay $0x1  }
0x2dd: {  	v3 =	vperm.xlane v3, v2;
	_ =	sdelay $0x1  }
0x2de: {  	v3 =	vadd.s32 v1, v3  }
0x2df: {  	[tilespmem:s7], [sflag:$0x1] =	stream.indirect_vreg.gather [hbm4b:s1+s3], $0x80, v4, vm0, $0xb8;
	[tilespmem:$0xC080] =	vst v63  }
0x2e0: {  	s15 =	simm.s32 $0x880  }
0x2e1: {  	[tilespmem:s15], [sflag:$0x1] =	stream.indirect_vreg.gather [hbm4b:s4+s3], $0x80, v4, vm1, $0xb8;
	[tilespmem:$0xC080] =	vst v63  }
0x2e2: {  	s15 =	simm.s32 $0xC80  }
0x2e3: {  	[tilespmem:s15], [sflag:$0x1] =	stream.indirect_vreg.gather [hbm4b:s1+s3], $0x80, v3, vm0, $0xb8;
	[tilespmem:$0xC080] =	vst v63  }
0x2e4: {  	s22 =	simm.s32 $0x1480  }
0x2e5: {  	[tilespmem:s22], [sflag:$0x1] =	stream.indirect_vreg.gather [hbm4b:s4+s3], $0x80, v3, vm1, $0xb8;
	[tilespmem:$0xC080] =	vst v63  }
0x2e6: {  	v3 =	vld [tilespmem:$0x10];
	_ =	sdelay $0x4  }
0x2e7: {  	v41 =	vshrl.u32 v3, $0x3  }
0x2e8: {  	v4 =	vmul.u32 $0x18, v41  }
0x2e9: {  	v3 =	vand.u32 $0x7, v3  }
0x2ea: {  	v3 =	vor.u32 v3, v4  }
0x2eb: {  	v4 =	vperm.xlane v3, v0;
	_ =	sdelay $0x1  }
0x2ec: {  	v4 =	vadd.s32 v1, v4;
	_ =	sdelay $0x1  }
0x2ed: {  	v3 =	vperm.xlane v3, v2;
	_ =	sdelay $0x1  }
0x2ee: {  	s15 =	simm.s32 $0x1880;
	v3 =	vadd.s32 v1, v3  }
0x2ef: {  	[tilespmem:s15], [sflag:$0x1] =	stream.indirect_vreg.gather [hbm4b:s1+s3], $0x80, v4, vm0, $0xb8;
	[tilespmem:$0xC080] =	vst v63  }
0x2f0: {  	s15 =	simm.s32 $0x2080  }
0x2f1: {  	[tilespmem:s15], [sflag:$0x1] =	stream.indirect_vreg.gather [hbm4b:s4+s3], $0x80, v4, vm1, $0xb8;
	[tilespmem:$0xC080] =	vst v63  }
0x2f2: {  	s15 =	simm.s32 $0x2480  }
0x2f3: {  	[tilespmem:s15], [sflag:$0x1] =	stream.indirect_vreg.gather [hbm4b:s1+s3], $0x80, v3, vm0, $0xb8;
	[tilespmem:$0xC080] =	vst v63  }
0x2f4: {  	s15 =	simm.s32 $0x2C80  }
0x2f5: {  	[tilespmem:s15], [sflag:$0x1] =	stream.indirect_vreg.gather [hbm4b:s4+s3], $0x80, v3, vm1, $0xb8;
	[tilespmem:$0xC080] =	vst v63  }
0x2f6: {  	v3 =	vld [tilespmem:$0x20];
	_ =	sdelay $0x4  }
0x2f7: {  	v42 =	vshrl.u32 v3, $0x3  }
0x2f8: {  	v4 =	vmul.u32 $0x18, v42  }
0x2f9: {  	v3 =	vand.u32 $0x7, v3  }
0x2fa: {  	v3 =	vor.u32 v3, v4  }
0x2fb: {  	v4 =	vperm.xlane v3, v0;
	_ =	sdelay $0x1  }
0x2fc: {  	v4 =	vadd.s32 v1, v4;
	_ =	sdelay $0x1  }
0x2fd: {  	v3 =	vperm.xlane v3, v2;
	_ =	sdelay $0x1  }
0x2fe: {  	s23 =	simm.s32 $0x3080;
	v3 =	vadd.s32 v1, v3  }
0x2ff: {  	[tilespmem:s23], [sflag:$0x1] =	stream.indirect_vreg.gather [hbm4b:s1+s3], $0x80, v4, vm0, $0xb8;
	[tilespmem:$0xC080] =	vst v63  }
0x300: {  	s24 =	simm.s32 $0x3880  }
0x301: {  	[tilespmem:s24], [sflag:$0x1] =	stream.indirect_vreg.gather [hbm4b:s4+s3], $0x80, v4, vm1, $0xb8;
	[tilespmem:$0xC080] =	vst v63  }
0x302: {  	s25 =	simm.s32 $0x3C80  }
0x303: {  	[tilespmem:s25], [sflag:$0x1] =	stream.indirect_vreg.gather [hbm4b:s1+s3], $0x80, v3, vm0, $0xb8;
	[tilespmem:$0xC080] =	vst v63  }
0x304: {  	s26 =	simm.s32 $0x4480  }
0x305: {  	[tilespmem:s26], [sflag:$0x1] =	stream.indirect_vreg.gather [hbm4b:s4+s3], $0x80, v3, vm1, $0xb8;
	[tilespmem:$0xC080] =	vst v63  }
0x306: {  	v3 =	vld [tilespmem:$0x30];
	_ =	sdelay $0x4  }
0x307: {  	v43 =	vshrl.u32 v3, $0x3  }
0x308: {  	v4 =	vmul.u32 $0x18, v43  }
0x309: {  	v3 =	vand.u32 $0x7, v3  }
0x30a: {  	v3 =	vor.u32 v3, v4  }
0x30b: {  	v4 =	vperm.xlane v3, v0;
	_ =	sdelay $0x1  }
0x30c: {  	v4 =	vadd.s32 v1, v4;
	_ =	sdelay $0x1  }
0x30d: {  	v3 =	vperm.xlane v3, v2;
	_ =	sdelay $0x1  }
0x30e: {  	s28 =	simm.s32 $0x4880;
	v3 =	vadd.s32 v1, v3  }
0x30f: {  	[tilespmem:s28], [sflag:$0x1] =	stream.indirect_vreg.gather [hbm4b:s1+s3], $0x80, v4, vm0, $0xb8;
	[tilespmem:$0xC080] =	vst v63  }
0x310: {  	s29 =	simm.s32 $0x5080  }
0x311: {  	[tilespmem:s29], [sflag:$0x1] =	stream.indirect_vreg.gather [hbm4b:s4+s3], $0x80, v4, vm1, $0xb8;
	[tilespmem:$0xC080] =	vst v63  }
0x312: {  	s30 =	simm.s32 $0x5480  }
0x313: {  	[tilespmem:s30], [sflag:$0x1] =	stream.indirect_vreg.gather [hbm4b:s1+s3], $0x80, v3, vm0, $0xb8;
	[tilespmem:$0xC080] =	vst v63  }
0x314: {  	s31 =	simm.s32 $0x5C80  }
0x315: {  	[tilespmem:s31], [sflag:$0x1] =	stream.indirect_vreg.gather [hbm4b:s4+s3], $0x80, v3, vm1, $0xb8;
	[tilespmem:$0xC080] =	vst v63  }
0x316: {  	v3 =	vld [tilespmem:$0x40];
	_ =	sdelay $0x4  }
0x317: {  	v44 =	vshrl.u32 v3, $0x3  }
0x318: {  	v4 =	vmul.u32 $0x18, v44  }
0x319: {  	v3 =	vand.u32 $0x7, v3  }
0x31a: {  	v3 =	vor.u32 v3, v4  }
0x31b: {  	v4 =	vperm.xlane v3, v0;
	_ =	sdelay $0x1  }
0x31c: {  	v4 =	vadd.s32 v1, v4;
	_ =	sdelay $0x1  }
0x31d: {  	v3 =	vperm.xlane v3, v2;
	_ =	sdelay $0x1  }
0x31e: {  	s11 =	simm.s32 $0x6080;
	v3 =	vadd.s32 v1, v3  }
0x31f: {  	[tilespmem:s11], [sflag:$0x1] =	stream.indirect_vreg.gather [hbm4b:s1+s3], $0x80, v4, vm0, $0xb8;
	[tilespmem:$0xC080] =	vst v63  }
0x320: {  	s12 =	simm.s32 $0x6880  }
0x321: {  	[tilespmem:s12], [sflag:$0x1] =	stream.indirect_vreg.gather [hbm4b:s4+s3], $0x80, v4, vm1, $0xb8;
	[tilespmem:$0xC080] =	vst v63  }
0x322: {  	s13 =	simm.s32 $0x6C80  }
0x323: {  	[tilespmem:s13], [sflag:$0x1] =	stream.indirect_vreg.gather [hbm4b:s1+s3], $0x80, v3, vm0, $0xb8;
	[tilespmem:$0xC080] =	vst v63  }
0x324: {  	s15 =	simm.s32 $0x7480  }
0x325: {  	[tilespmem:s15], [sflag:$0x1] =	stream.indirect_vreg.gather [hbm4b:s4+s3], $0x80, v3, vm1, $0xb8;
	[tilespmem:$0xC080] =	vst v63  }
0x326: {  	v3 =	vld [tilespmem:$0x50];
	_ =	sdelay $0x4  }
0x327: {  	v45 =	vshrl.u32 v3, $0x3  }
0x328: {  	v4 =	vmul.u32 $0x18, v45  }
0x329: {  	v3 =	vand.u32 $0x7, v3  }
0x32a: {  	v3 =	vor.u32 v3, v4  }
0x32b: {  	v4 =	vperm.xlane v3, v0;
	_ =	sdelay $0x1  }
0x32c: {  	v4 =	vadd.s32 v1, v4;
	_ =	sdelay $0x1  }
0x32d: {  	v3 =	vperm.xlane v3, v2;
	_ =	sdelay $0x1  }
0x32e: {  	s16 =	simm.s32 $0x7880;
	v3 =	vadd.s32 v1, v3  }
0x32f: {  	[tilespmem:s16], [sflag:$0x1] =	stream.indirect_vreg.gather [hbm4b:s1+s3], $0x80, v4, vm0, $0xb8;
	[tilespmem:$0xC080] =	vst v63  }
0x330: {  	s17 =	simm.s32 $0x8080  }
0x331: {  	[tilespmem:s17], [sflag:$0x1] =	stream.indirect_vreg.gather [hbm4b:s4+s3], $0x80, v4, vm1, $0xb8;
	[tilespmem:$0xC080] =	vst v63  }
0x332: {  	s18 =	simm.s32 $0x8480  }
0x333: {  	[tilespmem:s18], [sflag:$0x1] =	stream.indirect_vreg.gather [hbm4b:s1+s3], $0x80, v3, vm0, $0xb8;
	[tilespmem:$0xC080] =	vst v63  }
0x334: {  	s21 =	simm.s32 $0x8C80  }
0x335: {  	[tilespmem:s21], [sflag:$0x1] =	stream.indirect_vreg.gather [hbm4b:s4+s3], $0x80, v3, vm1, $0xb8;
	[tilespmem:$0xC080] =	vst v63  }
0x336: {  	v3 =	vld [tilespmem:$0x60];
	_ =	sdelay $0x4  }
0x337: {  	v46 =	vshrl.u32 v3, $0x3  }
0x338: {  	v4 =	vmul.u32 $0x18, v46  }
0x339: {  	v3 =	vand.u32 $0x7, v3  }
0x33a: {  	v3 =	vor.u32 v3, v4  }
0x33b: {  	v4 =	vperm.xlane v3, v0;
	_ =	sdelay $0x1  }
0x33c: {  	v4 =	vadd.s32 v1, v4;
	_ =	sdelay $0x1  }
0x33d: {  	v3 =	vperm.xlane v3, v2;
	_ =	sdelay $0x1  }
0x33e: {  	s0 =	simm.s32 $0x9080;
	v3 =	vadd.s32 v1, v3  }
0x33f: {  	[tilespmem:s0], [sflag:$0x1] =	stream.indirect_vreg.gather [hbm4b:s1+s3], $0x80, v4, vm0, $0xb8;
	[tilespmem:$0xC080] =	vst v63  }
0x340: {  	s2 =	simm.s32 $0x9880  }
0x341: {  	[tilespmem:s2], [sflag:$0x1] =	stream.indirect_vreg.gather [hbm4b:s4+s3], $0x80, v4, vm1, $0xb8;
	[tilespmem:$0xC080] =	vst v63  }
0x342: {  	s5 =	simm.s32 $0x9C80  }
0x343: {  	[tilespmem:s5], [sflag:$0x1] =	stream.indirect_vreg.gather [hbm4b:s1+s3], $0x80, v3, vm0, $0xb8;
	[tilespmem:$0xC080] =	vst v63  }
0x344: {  	s19 =	simm.s32 $0xA480  }
0x345: {  	[tilespmem:s19], [sflag:$0x1] =	stream.indirect_vreg.gather [hbm4b:s4+s3], $0x80, v3, vm1, $0xb8;
	[tilespmem:$0xC080] =	vst v63  }
0x346: {  	v3 =	vld [tilespmem:$0x70];
	_ =	sdelay $0x4  }
0x347: {  	v47 =	vshrl.u32 v3, $0x3  }
0x348: {  	v4 =	vmul.u32 $0x18, v47  }
0x349: {  	v3 =	vand.u32 $0x7, v3  }
0x34a: {  	v3 =	vor.u32 v3, v4  }
0x34b: {  	v4 =	vperm.xlane v3, v0;
	_ =	sdelay $0x1  }
0x34c: {  	v4 =	vadd.s32 v1, v4;
	_ =	sdelay $0x1  }
0x34d: {  	v3 =	vperm.xlane v3, v2;
	_ =	sdelay $0x1  }
0x34e: {  	s8 =	simm.s32 $0xA880;
	v3 =	vadd.s32 v1, v3  }
0x34f: {  	[tilespmem:s8], [sflag:$0x1] =	stream.indirect_vreg.gather [hbm4b:s1+s3], $0x80, v4, vm0, $0xb8;
	[tilespmem:$0xC080] =	vst v63  }
0x350: {  	s9 =	simm.s32 $0xB080  }
0x351: {  	[tilespmem:s9], [sflag:$0x1] =	stream.indirect_vreg.gather [hbm4b:s4+s3], $0x80, v4, vm1, $0xb8;
	[tilespmem:$0xC080] =	vst v63  }
0x352: {  	s10 =	simm.s32 $0xB480  }
0x353: {  	[tilespmem:s10], [sflag:$0x1] =	stream.indirect_vreg.gather [hbm4b:s1+s3], $0x80, v3, vm0, $0xb8;
	[tilespmem:$0xC080] =	vst v63  }
0x354: {  	s20 =	simm.s32 $0xBC80  }
0x355: {  	[tilespmem:s20], [sflag:$0x1] =	stream.indirect_vreg.gather [hbm4b:s4+s3], $0x80, v3, vm1, $0xb8;
	[tilespmem:$0xC080] =	vst v63  }
0x356: {  	_ =	swait.ge [sflag:s14], $0xC000  }
0x357: {  	[sflag:s14] =	ssyncset.done $0x0  }
0x358: {  	s21 =	rddreg [dreg:$0xf];
	[sflag:s14] =	ssyncadd.s32 $0xFFFF4000  }
0x359: {  	[hbm4b:s21+s3] =	stream.linear.scatter [tilespmem:s7], [sflag:$0x2], $0xC000, $0x38;
	[tilespmem:$0xC080] =	vst v63  }
0x35a: {  	_ =	swait.ge [sflag:s6], $0xC000  }
0x35b: {  	[sflag:s6] =	ssyncset.done $0x0  }
0x35c: {  	s19 =	rddreg [dreg:$0x10];
	[sflag:s6] =	ssyncadd.s32 $0xFFFF4000  }
0x35d: {  	[tilespmem:s3], [sflag:$0x2] =	stream.linear.gather [hbm4b:s19+s3], $0x80, $0x38;
	[tilespmem:$0xC080] =	vst v63  }
0x35e: {  	_ =	swait.ge [sflag:s6], $0x80  }
0x35f: {  	[sflag:s6] =	ssyncset.done $0x0  }
0x360: {  	[sflag:s6] =	ssyncadd.s32 $0xFFFFFF80  }
0x361: {  	v3 =	vld [tilespmem:$0x0];
	_ =	sdelay $0x4  }
0x362: {  	v48 =	vshrl.u32 v3, $0x3  }
0x363: {  	v4 =	vmul.u32 $0x18, v48  }
0x364: {  	v3 =	vand.u32 $0x7, v3  }
0x365: {  	v3 =	vor.u32 v3, v4  }
0x366: {  	v4 =	vperm.xlane v3, v0;
	_ =	sdelay $0x1  }
0x367: {  	v4 =	vadd.s32 v1, v4;
	_ =	sdelay $0x1  }
0x368: {  	v3 =	vperm.xlane v3, v2;
	_ =	sdelay $0x1  }
0x369: {  	v3 =	vadd.s32 v1, v3  }
0x36a: {  	[tilespmem:s7], [sflag:$0x1] =	stream.indirect_vreg.gather [hbm4b:s1+s3], $0x80, v4, vm0, $0xb8;
	[tilespmem:$0xC080] =	vst v63  }
0x36b: {  	s20 =	simm.s32 $0x880  }
0x36c: {  	[tilespmem:s20], [sflag:$0x1] =	stream.indirect_vreg.gather [hbm4b:s4+s3], $0x80, v4, vm1, $0xb8;
	[tilespmem:$0xC080] =	vst v63  }
0x36d: {  	s21 =	simm.s32 $0xC80  }
0x36e: {  	[tilespmem:s21], [sflag:$0x1] =	stream.indirect_vreg.gather [hbm4b:s1+s3], $0x80, v3, vm0, $0xb8;
	[tilespmem:$0xC080] =	vst v63  }
0x36f: {  	s22 =	simm.s32 $0x1480  }
0x370: {  	[tilespmem:s22], [sflag:$0x1] =	stream.indirect_vreg.gather [hbm4b:s4+s3], $0x80, v3, vm1, $0xb8;
	[tilespmem:$0xC080] =	vst v63  }
0x371: {  	v3 =	vld [tilespmem:$0x10];
	_ =	sdelay $0x4  }
0x372: {  	v49 =	vshrl.u32 v3, $0x3  }
0x373: {  	v4 =	vmul.u32 $0x18, v49  }
0x374: {  	v3 =	vand.u32 $0x7, v3  }
0x375: {  	v3 =	vor.u32 v3, v4  }
0x376: {  	v4 =	vperm.xlane v3, v0;
	_ =	sdelay $0x1  }
0x377: {  	v4 =	vadd.s32 v1, v4;
	_ =	sdelay $0x1  }
0x378: {  	v3 =	vperm.xlane v3, v2;
	_ =	sdelay $0x1  }
0x379: {  	s22 =	simm.s32 $0x1880;
	v3 =	vadd.s32 v1, v3  }
0x37a: {  	[tilespmem:s22], [sflag:$0x1] =	stream.indirect_vreg.gather [hbm4b:s1+s3], $0x80, v4, vm0, $0xb8;
	[tilespmem:$0xC080] =	vst v63  }
0x37b: {  	s20 =	simm.s32 $0x2080  }
0x37c: {  	[tilespmem:s20], [sflag:$0x1] =	stream.indirect_vreg.gather [hbm4b:s4+s3], $0x80, v4, vm1, $0xb8;
	[tilespmem:$0xC080] =	vst v63  }
0x37d: {  	s21 =	simm.s32 $0x2480  }
0x37e: {  	[tilespmem:s21], [sflag:$0x1] =	stream.indirect_vreg.gather [hbm4b:s1+s3], $0x80, v3, vm0, $0xb8;
	[tilespmem:$0xC080] =	vst v63  }
0x37f: {  	s22 =	simm.s32 $0x2C80  }
0x380: {  	[tilespmem:s22], [sflag:$0x1] =	stream.indirect_vreg.gather [hbm4b:s4+s3], $0x80, v3, vm1, $0xb8;
	[tilespmem:$0xC080] =	vst v63  }
0x381: {  	v3 =	vld [tilespmem:$0x20];
	_ =	sdelay $0x4  }
0x382: {  	v50 =	vshrl.u32 v3, $0x3  }
0x383: {  	v4 =	vmul.u32 $0x18, v50  }
0x384: {  	v3 =	vand.u32 $0x7, v3  }
0x385: {  	v3 =	vor.u32 v3, v4  }
0x386: {  	v4 =	vperm.xlane v3, v0;
	_ =	sdelay $0x1  }
0x387: {  	v4 =	vadd.s32 v1, v4;
	_ =	sdelay $0x1  }
0x388: {  	v3 =	vperm.xlane v3, v2;
	_ =	sdelay $0x1  }
0x389: {  	s23 =	simm.s32 $0x3080;
	v3 =	vadd.s32 v1, v3  }
0x38a: {  	[tilespmem:s23], [sflag:$0x1] =	stream.indirect_vreg.gather [hbm4b:s1+s3], $0x80, v4, vm0, $0xb8;
	[tilespmem:$0xC080] =	vst v63  }
0x38b: {  	s24 =	simm.s32 $0x3880  }
0x38c: {  	[tilespmem:s24], [sflag:$0x1] =	stream.indirect_vreg.gather [hbm4b:s4+s3], $0x80, v4, vm1, $0xb8;
	[tilespmem:$0xC080] =	vst v63  }
0x38d: {  	s25 =	simm.s32 $0x3C80  }
0x38e: {  	[tilespmem:s25], [sflag:$0x1] =	stream.indirect_vreg.gather [hbm4b:s1+s3], $0x80, v3, vm0, $0xb8;
	[tilespmem:$0xC080] =	vst v63  }
0x38f: {  	s26 =	simm.s32 $0x4480  }
0x390: {  	[tilespmem:s26], [sflag:$0x1] =	stream.indirect_vreg.gather [hbm4b:s4+s3], $0x80, v3, vm1, $0xb8;
	[tilespmem:$0xC080] =	vst v63  }
0x391: {  	v3 =	vld [tilespmem:$0x30];
	_ =	sdelay $0x4  }
0x392: {  	v51 =	vshrl.u32 v3, $0x3  }
0x393: {  	v4 =	vmul.u32 $0x18, v51  }
0x394: {  	v3 =	vand.u32 $0x7, v3  }
0x395: {  	v3 =	vor.u32 v3, v4  }
0x396: {  	v4 =	vperm.xlane v3, v0;
	_ =	sdelay $0x1  }
0x397: {  	v4 =	vadd.s32 v1, v4;
	_ =	sdelay $0x1  }
0x398: {  	v3 =	vperm.xlane v3, v2;
	_ =	sdelay $0x1  }
0x399: {  	s28 =	simm.s32 $0x4880;
	v3 =	vadd.s32 v1, v3  }
0x39a: {  	[tilespmem:s28], [sflag:$0x1] =	stream.indirect_vreg.gather [hbm4b:s1+s3], $0x80, v4, vm0, $0xb8;
	[tilespmem:$0xC080] =	vst v63  }
0x39b: {  	s29 =	simm.s32 $0x5080  }
0x39c: {  	[tilespmem:s29], [sflag:$0x1] =	stream.indirect_vreg.gather [hbm4b:s4+s3], $0x80, v4, vm1, $0xb8;
	[tilespmem:$0xC080] =	vst v63  }
0x39d: {  	s30 =	simm.s32 $0x5480  }
0x39e: {  	[tilespmem:s30], [sflag:$0x1] =	stream.indirect_vreg.gather [hbm4b:s1+s3], $0x80, v3, vm0, $0xb8;
	[tilespmem:$0xC080] =	vst v63  }
0x39f: {  	s31 =	simm.s32 $0x5C80  }
0x3a0: {  	[tilespmem:s31], [sflag:$0x1] =	stream.indirect_vreg.gather [hbm4b:s4+s3], $0x80, v3, vm1, $0xb8;
	[tilespmem:$0xC080] =	vst v63  }
0x3a1: {  	v3 =	vld [tilespmem:$0x40];
	_ =	sdelay $0x4  }
0x3a2: {  	v52 =	vshrl.u32 v3, $0x3  }
0x3a3: {  	v4 =	vmul.u32 $0x18, v52  }
0x3a4: {  	v3 =	vand.u32 $0x7, v3  }
0x3a5: {  	v3 =	vor.u32 v3, v4  }
0x3a6: {  	v4 =	vperm.xlane v3, v0;
	_ =	sdelay $0x1  }
0x3a7: {  	v4 =	vadd.s32 v1, v4;
	_ =	sdelay $0x1  }
0x3a8: {  	v3 =	vperm.xlane v3, v2;
	_ =	sdelay $0x1  }
0x3a9: {  	s11 =	simm.s32 $0x6080;
	v3 =	vadd.s32 v1, v3  }
0x3aa: {  	[tilespmem:s11], [sflag:$0x1] =	stream.indirect_vreg.gather [hbm4b:s1+s3], $0x80, v4, vm0, $0xb8;
	[tilespmem:$0xC080] =	vst v63  }
0x3ab: {  	s12 =	simm.s32 $0x6880  }
0x3ac: {  	[tilespmem:s12], [sflag:$0x1] =	stream.indirect_vreg.gather [hbm4b:s4+s3], $0x80, v4, vm1, $0xb8;
	[tilespmem:$0xC080] =	vst v63  }
0x3ad: {  	s13 =	simm.s32 $0x6C80  }
0x3ae: {  	[tilespmem:s13], [sflag:$0x1] =	stream.indirect_vreg.gather [hbm4b:s1+s3], $0x80, v3, vm0, $0xb8;
	[tilespmem:$0xC080] =	vst v63  }
0x3af: {  	s15 =	simm.s32 $0x7480  }
0x3b0: {  	[tilespmem:s15], [sflag:$0x1] =	stream.indirect_vreg.gather [hbm4b:s4+s3], $0x80, v3, vm1, $0xb8;
	[tilespmem:$0xC080] =	vst v63  }
0x3b1: {  	v3 =	vld [tilespmem:$0x50];
	_ =	sdelay $0x4  }
0x3b2: {  	v53 =	vshrl.u32 v3, $0x3  }
0x3b3: {  	v4 =	vmul.u32 $0x18, v53  }
0x3b4: {  	v3 =	vand.u32 $0x7, v3  }
0x3b5: {  	v3 =	vor.u32 v3, v4  }
0x3b6: {  	v4 =	vperm.xlane v3, v0;
	_ =	sdelay $0x1  }
0x3b7: {  	v4 =	vadd.s32 v1, v4;
	_ =	sdelay $0x1  }
0x3b8: {  	v3 =	vperm.xlane v3, v2;
	_ =	sdelay $0x1  }
0x3b9: {  	s16 =	simm.s32 $0x7880;
	v3 =	vadd.s32 v1, v3  }
0x3ba: {  	[tilespmem:s16], [sflag:$0x1] =	stream.indirect_vreg.gather [hbm4b:s1+s3], $0x80, v4, vm0, $0xb8;
	[tilespmem:$0xC080] =	vst v63  }
0x3bb: {  	s17 =	simm.s32 $0x8080  }
0x3bc: {  	[tilespmem:s17], [sflag:$0x1] =	stream.indirect_vreg.gather [hbm4b:s4+s3], $0x80, v4, vm1, $0xb8;
	[tilespmem:$0xC080] =	vst v63  }
0x3bd: {  	s18 =	simm.s32 $0x8480  }
0x3be: {  	[tilespmem:s18], [sflag:$0x1] =	stream.indirect_vreg.gather [hbm4b:s1+s3], $0x80, v3, vm0, $0xb8;
	[tilespmem:$0xC080] =	vst v63  }
0x3bf: {  	s18 =	simm.s32 $0x8C80  }
0x3c0: {  	[tilespmem:s18], [sflag:$0x1] =	stream.indirect_vreg.gather [hbm4b:s4+s3], $0x80, v3, vm1, $0xb8;
	[tilespmem:$0xC080] =	vst v63  }
0x3c1: {  	v3 =	vld [tilespmem:$0x60];
	_ =	sdelay $0x4  }
0x3c2: {  	v54 =	vshrl.u32 v3, $0x3  }
0x3c3: {  	v4 =	vmul.u32 $0x18, v54  }
0x3c4: {  	v3 =	vand.u32 $0x7, v3  }
0x3c5: {  	v3 =	vor.u32 v3, v4  }
0x3c6: {  	v4 =	vperm.xlane v3, v0;
	_ =	sdelay $0x1  }
0x3c7: {  	v4 =	vadd.s32 v1, v4;
	_ =	sdelay $0x1  }
0x3c8: {  	v3 =	vperm.xlane v3, v2;
	_ =	sdelay $0x1  }
0x3c9: {  	s0 =	simm.s32 $0x9080;
	v3 =	vadd.s32 v1, v3  }
0x3ca: {  	[tilespmem:s0], [sflag:$0x1] =	stream.indirect_vreg.gather [hbm4b:s1+s3], $0x80, v4, vm0, $0xb8;
	[tilespmem:$0xC080] =	vst v63  }
0x3cb: {  	s2 =	simm.s32 $0x9880  }
0x3cc: {  	[tilespmem:s2], [sflag:$0x1] =	stream.indirect_vreg.gather [hbm4b:s4+s3], $0x80, v4, vm1, $0xb8;
	[tilespmem:$0xC080] =	vst v63  }
0x3cd: {  	s5 =	simm.s32 $0x9C80  }
0x3ce: {  	[tilespmem:s5], [sflag:$0x1] =	stream.indirect_vreg.gather [hbm4b:s1+s3], $0x80, v3, vm0, $0xb8;
	[tilespmem:$0xC080] =	vst v63  }
0x3cf: {  	s30 =	simm.s32 $0xA480  }
0x3d0: {  	[tilespmem:s30], [sflag:$0x1] =	stream.indirect_vreg.gather [hbm4b:s4+s3], $0x80, v3, vm1, $0xb8;
	[tilespmem:$0xC080] =	vst v63  }
0x3d1: {  	v3 =	vld [tilespmem:$0x70];
	_ =	sdelay $0x4  }
0x3d2: {  	v55 =	vshrl.u32 v3, $0x3  }
0x3d3: {  	v4 =	vmul.u32 $0x18, v55  }
0x3d4: {  	v3 =	vand.u32 $0x7, v3  }
0x3d5: {  	v3 =	vor.u32 v3, v4  }
0x3d6: {  	v4 =	vperm.xlane v3, v0;
	_ =	sdelay $0x1  }
0x3d7: {  	v4 =	vadd.s32 v1, v4;
	_ =	sdelay $0x1  }
0x3d8: {  	v3 =	vperm.xlane v3, v2;
	_ =	sdelay $0x1  }
0x3d9: {  	s8 =	simm.s32 $0xA880;
	v3 =	vadd.s32 v1, v3  }
0x3da: {  	[tilespmem:s8], [sflag:$0x1] =	stream.indirect_vreg.gather [hbm4b:s1+s3], $0x80, v4, vm0, $0xb8;
	[tilespmem:$0xC080] =	vst v63  }
0x3db: {  	s9 =	simm.s32 $0xB080  }
0x3dc: {  	[tilespmem:s9], [sflag:$0x1] =	stream.indirect_vreg.gather [hbm4b:s4+s3], $0x80, v4, vm1, $0xb8;
	[tilespmem:$0xC080] =	vst v63  }
0x3dd: {  	s10 =	simm.s32 $0xB480  }
0x3de: {  	[tilespmem:s10], [sflag:$0x1] =	stream.indirect_vreg.gather [hbm4b:s1+s3], $0x80, v3, vm0, $0xb8;
	[tilespmem:$0xC080] =	vst v63  }
0x3df: {  	s15 =	simm.s32 $0xBC80  }
0x3e0: {  	[tilespmem:s15], [sflag:$0x1] =	stream.indirect_vreg.gather [hbm4b:s4+s3], $0x80, v3, vm1, $0xb8;
	[tilespmem:$0xC080] =	vst v63  }
0x3e1: {  	_ =	swait.ge [sflag:s14], $0xC000  }
0x3e2: {  	[sflag:s14] =	ssyncset.done $0x0  }
0x3e3: {  	s15 =	rddreg [dreg:$0x11];
	[sflag:s14] =	ssyncadd.s32 $0xFFFF4000  }
0x3e4: {  	[hbm4b:s15+s3] =	stream.linear.scatter [tilespmem:s7], [sflag:$0x2], $0xC000, $0x38;
	[tilespmem:$0xC080] =	vst v63  }
0x3e5: {  	_ =	swait.ge [sflag:s6], $0xC000  }
0x3e6: {  	[sflag:s6] =	ssyncset.done $0x0  }
0x3e7: {  	s15 =	rddreg [dreg:$0x12];
	[sflag:s6] =	ssyncadd.s32 $0xFFFF4000  }
0x3e8: {  	[tilespmem:s3], [sflag:$0x2] =	stream.linear.gather [hbm4b:s15+s3], $0x80, $0x38;
	[tilespmem:$0xC080] =	vst v63  }
0x3e9: {  	_ =	swait.ge [sflag:s6], $0x80  }
0x3ea: {  	[sflag:s6] =	ssyncset.done $0x0  }
0x3eb: {  	[sflag:s6] =	ssyncadd.s32 $0xFFFFFF80  }
0x3ec: {  	v3 =	vld [tilespmem:$0x0];
	_ =	sdelay $0x4  }
0x3ed: {  	v56 =	vshrl.u32 v3, $0x3  }
0x3ee: {  	v4 =	vmul.u32 $0x18, v56  }
0x3ef: {  	v3 =	vand.u32 $0x7, v3  }
0x3f0: {  	v3 =	vor.u32 v3, v4  }
0x3f1: {  	v4 =	vperm.xlane v3, v0;
	_ =	sdelay $0x1  }
0x3f2: {  	v4 =	vadd.s32 v1, v4;
	_ =	sdelay $0x1  }
0x3f3: {  	v3 =	vperm.xlane v3, v2;
	_ =	sdelay $0x1  }
0x3f4: {  	v3 =	vadd.s32 v1, v3  }
0x3f5: {  	[tilespmem:s7], [sflag:$0x1] =	stream.indirect_vreg.gather [hbm4b:s1+s3], $0x80, v4, vm0, $0xb8;
	[tilespmem:$0xC080] =	vst v63  }
0x3f6: {  	s15 =	simm.s32 $0x880  }
0x3f7: {  	[tilespmem:s15], [sflag:$0x1] =	stream.indirect_vreg.gather [hbm4b:s4+s3], $0x80, v4, vm1, $0xb8;
	[tilespmem:$0xC080] =	vst v63  }
0x3f8: {  	s15 =	simm.s32 $0xC80  }
0x3f9: {  	[tilespmem:s15], [sflag:$0x1] =	stream.indirect_vreg.gather [hbm4b:s1+s3], $0x80, v3, vm0, $0xb8;
	[tilespmem:$0xC080] =	vst v63  }
0x3fa: {  	s19 =	simm.s32 $0x1480  }
0x3fb: {  	[tilespmem:s19], [sflag:$0x1] =	stream.indirect_vreg.gather [hbm4b:s4+s3], $0x80, v3, vm1, $0xb8;
	[tilespmem:$0xC080] =	vst v63  }
0x3fc: {  	v3 =	vld [tilespmem:$0x10];
	_ =	sdelay $0x4  }
0x3fd: {  	v57 =	vshrl.u32 v3, $0x3  }
0x3fe: {  	v4 =	vmul.u32 $0x18, v57  }
0x3ff: {  	v3 =	vand.u32 $0x7, v3  }
0x400: {  	v3 =	vor.u32 v3, v4  }
0x401: {  	v4 =	vperm.xlane v3, v0;
	_ =	sdelay $0x1  }
0x402: {  	v4 =	vadd.s32 v1, v4;
	_ =	sdelay $0x1  }
0x403: {  	v3 =	vperm.xlane v3, v2;
	_ =	sdelay $0x1  }
0x404: {  	s19 =	simm.s32 $0x1880;
	v3 =	vadd.s32 v1, v3  }
0x405: {  	[tilespmem:s19], [sflag:$0x1] =	stream.indirect_vreg.gather [hbm4b:s1+s3], $0x80, v4, vm0, $0xb8;
	[tilespmem:$0xC080] =	vst v63  }
0x406: {  	s19 =	simm.s32 $0x2080  }
0x407: {  	[tilespmem:s19], [sflag:$0x1] =	stream.indirect_vreg.gather [hbm4b:s4+s3], $0x80, v4, vm1, $0xb8;
	[tilespmem:$0xC080] =	vst v63  }
0x408: {  	s19 =	simm.s32 $0x2480  }
0x409: {  	[tilespmem:s19], [sflag:$0x1] =	stream.indirect_vreg.gather [hbm4b:s1+s3], $0x80, v3, vm0, $0xb8;
	[tilespmem:$0xC080] =	vst v63  }
0x40a: {  	s19 =	simm.s32 $0x2C80  }
0x40b: {  	[tilespmem:s19], [sflag:$0x1] =	stream.indirect_vreg.gather [hbm4b:s4+s3], $0x80, v3, vm1, $0xb8;
	[tilespmem:$0xC080] =	vst v63  }
0x40c: {  	v3 =	vld [tilespmem:$0x20];
	_ =	sdelay $0x4  }
0x40d: {  	v58 =	vshrl.u32 v3, $0x3  }
0x40e: {  	v4 =	vmul.u32 $0x18, v58  }
0x40f: {  	v3 =	vand.u32 $0x7, v3  }
0x410: {  	v3 =	vor.u32 v3, v4  }
0x411: {  	v4 =	vperm.xlane v3, v0;
	_ =	sdelay $0x1  }
0x412: {  	v4 =	vadd.s32 v1, v4;
	_ =	sdelay $0x1  }
0x413: {  	v3 =	vperm.xlane v3, v2;
	_ =	sdelay $0x1  }
0x414: {  	s20 =	simm.s32 $0x3080;
	v3 =	vadd.s32 v1, v3  }
0x415: {  	[tilespmem:s20], [sflag:$0x1] =	stream.indirect_vreg.gather [hbm4b:s1+s3], $0x80, v4, vm0, $0xb8;
	[tilespmem:$0xC080] =	vst v63  }
0x416: {  	s21 =	simm.s32 $0x3880  }
0x417: {  	[tilespmem:s21], [sflag:$0x1] =	stream.indirect_vreg.gather [hbm4b:s4+s3], $0x80, v4, vm1, $0xb8;
	[tilespmem:$0xC080] =	vst v63  }
0x418: {  	s22 =	simm.s32 $0x3C80  }
0x419: {  	[tilespmem:s22], [sflag:$0x1] =	stream.indirect_vreg.gather [hbm4b:s1+s3], $0x80, v3, vm0, $0xb8;
	[tilespmem:$0xC080] =	vst v63  }
0x41a: {  	s23 =	simm.s32 $0x4480  }
0x41b: {  	[tilespmem:s23], [sflag:$0x1] =	stream.indirect_vreg.gather [hbm4b:s4+s3], $0x80, v3, vm1, $0xb8;
	[tilespmem:$0xC080] =	vst v63  }
0x41c: {  	v3 =	vld [tilespmem:$0x30];
	_ =	sdelay $0x4  }
0x41d: {  	v59 =	vshrl.u32 v3, $0x3  }
0x41e: {  	v4 =	vmul.u32 $0x18, v59  }
0x41f: {  	v3 =	vand.u32 $0x7, v3  }
0x420: {  	v3 =	vor.u32 v3, v4  }
0x421: {  	v4 =	vperm.xlane v3, v0;
	_ =	sdelay $0x1  }
0x422: {  	v4 =	vadd.s32 v1, v4;
	_ =	sdelay $0x1  }
0x423: {  	v3 =	vperm.xlane v3, v2;
	_ =	sdelay $0x1  }
0x424: {  	s24 =	simm.s32 $0x4880;
	v3 =	vadd.s32 v1, v3  }
0x425: {  	[tilespmem:s24], [sflag:$0x1] =	stream.indirect_vreg.gather [hbm4b:s1+s3], $0x80, v4, vm0, $0xb8;
	[tilespmem:$0xC080] =	vst v63  }
0x426: {  	s25 =	simm.s32 $0x5080  }
0x427: {  	[tilespmem:s25], [sflag:$0x1] =	stream.indirect_vreg.gather [hbm4b:s4+s3], $0x80, v4, vm1, $0xb8;
	[tilespmem:$0xC080] =	vst v63  }
0x428: {  	s26 =	simm.s32 $0x5480  }
0x429: {  	[tilespmem:s26], [sflag:$0x1] =	stream.indirect_vreg.gather [hbm4b:s1+s3], $0x80, v3, vm0, $0xb8;
	[tilespmem:$0xC080] =	vst v63  }
0x42a: {  	s29 =	simm.s32 $0x5C80  }
0x42b: {  	[tilespmem:s29], [sflag:$0x1] =	stream.indirect_vreg.gather [hbm4b:s4+s3], $0x80, v3, vm1, $0xb8;
	[tilespmem:$0xC080] =	vst v63  }
0x42c: {  	v3 =	vld [tilespmem:$0x40];
	_ =	sdelay $0x4  }
0x42d: {  	v60 =	vshrl.u32 v3, $0x3  }
0x42e: {  	v4 =	vmul.u32 $0x18, v60  }
0x42f: {  	v3 =	vand.u32 $0x7, v3  }
0x430: {  	v3 =	vor.u32 v3, v4  }
0x431: {  	v4 =	vperm.xlane v3, v0;
	_ =	sdelay $0x1  }
0x432: {  	v4 =	vadd.s32 v1, v4;
	_ =	sdelay $0x1  }
0x433: {  	v3 =	vperm.xlane v3, v2;
	_ =	sdelay $0x1  }
0x434: {  	s28 =	simm.s32 $0x6080;
	v3 =	vadd.s32 v1, v3  }
0x435: {  	[tilespmem:s28], [sflag:$0x1] =	stream.indirect_vreg.gather [hbm4b:s1+s3], $0x80, v4, vm0, $0xb8;
	[tilespmem:$0xC080] =	vst v63  }
0x436: {  	s11 =	simm.s32 $0x6880  }
0x437: {  	[tilespmem:s11], [sflag:$0x1] =	stream.indirect_vreg.gather [hbm4b:s4+s3], $0x80, v4, vm1, $0xb8;
	[tilespmem:$0xC080] =	vst v63  }
0x438: {  	s12 =	simm.s32 $0x6C80  }
0x439: {  	[tilespmem:s12], [sflag:$0x1] =	stream.indirect_vreg.gather [hbm4b:s1+s3], $0x80, v3, vm0, $0xb8;
	[tilespmem:$0xC080] =	vst v63  }
0x43a: {  	s31 =	simm.s32 $0x7480  }
0x43b: {  	[tilespmem:s31], [sflag:$0x1] =	stream.indirect_vreg.gather [hbm4b:s4+s3], $0x80, v3, vm1, $0xb8;
	[tilespmem:$0xC080] =	vst v63  }
0x43c: {  	v3 =	vld [tilespmem:$0x50];
	_ =	sdelay $0x4  }
0x43d: {  	v61 =	vshrl.u32 v3, $0x3  }
0x43e: {  	v4 =	vmul.u32 $0x18, v61  }
0x43f: {  	v3 =	vand.u32 $0x7, v3  }
0x440: {  	v3 =	vor.u32 v3, v4  }
0x441: {  	v4 =	vperm.xlane v3, v0;
	_ =	sdelay $0x1  }
0x442: {  	v4 =	vadd.s32 v1, v4;
	_ =	sdelay $0x1  }
0x443: {  	v3 =	vperm.xlane v3, v2;
	_ =	sdelay $0x1  }
0x444: {  	s13 =	simm.s32 $0x7880;
	v3 =	vadd.s32 v1, v3  }
0x445: {  	[tilespmem:s13], [sflag:$0x1] =	stream.indirect_vreg.gather [hbm4b:s1+s3], $0x80, v4, vm0, $0xb8;
	[tilespmem:$0xC080] =	vst v63  }
0x446: {  	s16 =	simm.s32 $0x8080  }
0x447: {  	[tilespmem:s16], [sflag:$0x1] =	stream.indirect_vreg.gather [hbm4b:s4+s3], $0x80, v4, vm1, $0xb8;
	[tilespmem:$0xC080] =	vst v63  }
0x448: {  	s17 =	simm.s32 $0x8480  }
0x449: {  	[tilespmem:s17], [sflag:$0x1] =	stream.indirect_vreg.gather [hbm4b:s1+s3], $0x80, v3, vm0, $0xb8;
	[tilespmem:$0xC080] =	vst v63  }
0x44a: {  	s28 =	simm.s32 $0x8C80  }
0x44b: {  	[tilespmem:s28], [sflag:$0x1] =	stream.indirect_vreg.gather [hbm4b:s4+s3], $0x80, v3, vm1, $0xb8;
	[tilespmem:$0xC080] =	vst v63  }
0x44c: {  	v3 =	vld [tilespmem:$0x60];
	_ =	sdelay $0x4  }
0x44d: {  	v62 =	vshrl.u32 v3, $0x3  }
0x44e: {  	v4 =	vmul.u32 $0x18, v62  }
0x44f: {  	v3 =	vand.u32 $0x7, v3  }
0x450: {  	v3 =	vor.u32 v3, v4  }
0x451: {  	v4 =	vperm.xlane v3, v0;
	_ =	sdelay $0x1  }
0x452: {  	v4 =	vadd.s32 v1, v4;
	_ =	sdelay $0x1  }
0x453: {  	v3 =	vperm.xlane v3, v2;
	_ =	sdelay $0x1  }
0x454: {  	s18 =	simm.s32 $0x9080;
	v3 =	vadd.s32 v1, v3  }
0x455: {  	[tilespmem:s18], [sflag:$0x1] =	stream.indirect_vreg.gather [hbm4b:s1+s3], $0x80, v4, vm0, $0xb8;
	[tilespmem:$0xC080] =	vst v63  }
0x456: {  	s0 =	simm.s32 $0x9880  }
0x457: {  	[tilespmem:s0], [sflag:$0x1] =	stream.indirect_vreg.gather [hbm4b:s4+s3], $0x80, v4, vm1, $0xb8;
	[tilespmem:$0xC080] =	vst v63  }
0x458: {  	s2 =	simm.s32 $0x9C80  }
0x459: {  	[tilespmem:s2], [sflag:$0x1] =	stream.indirect_vreg.gather [hbm4b:s1+s3], $0x80, v3, vm0, $0xb8;
	[tilespmem:$0xC080] =	vst v63  }
0x45a: {  	s30 =	simm.s32 $0xA480  }
0x45b: {  	[tilespmem:s30], [sflag:$0x1] =	stream.indirect_vreg.gather [hbm4b:s4+s3], $0x80, v3, vm1, $0xb8;
	[tilespmem:$0xC080] =	vst v63  }
0x45c: {  	v3 =	vld [tilespmem:$0x70];
	_ =	sdelay $0x4  }
0x45d: {  	v63 =	vshrl.u32 v3, $0x3  }
0x45e: {  	v4 =	vmul.u32 $0x18, v63  }
0x45f: {  	v3 =	vand.u32 $0x7, v3  }
0x460: {  	v3 =	vor.u32 v3, v4  }
0x461: {  	v4 =	vperm.xlane v3, v0;
	_ =	sdelay $0x1  }
0x462: {  	v4 =	vadd.s32 v1, v4;
	_ =	sdelay $0x1  }
0x463: {  	v3 =	vperm.xlane v3, v2;
	_ =	sdelay $0x1  }
0x464: {  	s5 =	simm.s32 $0xA880;
	v3 =	vadd.s32 v1, v3  }
0x465: {  	[tilespmem:s5], [sflag:$0x1] =	stream.indirect_vreg.gather [hbm4b:s1+s3], $0x80, v4, vm0, $0xb8;
	[tilespmem:$0xC080] =	vst v63  }
0x466: {  	s8 =	simm.s32 $0xB080  }
0x467: {  	[tilespmem:s8], [sflag:$0x1] =	stream.indirect_vreg.gather [hbm4b:s4+s3], $0x80, v4, vm1, $0xb8;
	[tilespmem:$0xC080] =	vst v63  }
0x468: {  	s9 =	simm.s32 $0xB480  }
0x469: {  	[tilespmem:s9], [sflag:$0x1] =	stream.indirect_vreg.gather [hbm4b:s1+s3], $0x80, v3, vm0, $0xb8;
	[tilespmem:$0xC080] =	vst v63  }
0x46a: {  	s10 =	simm.s32 $0xBC80  }
0x46b: {  	[tilespmem:s10], [sflag:$0x1] =	stream.indirect_vreg.gather [hbm4b:s4+s3], $0x80, v3, vm1, $0xb8;
	[tilespmem:$0xC080] =	vst v63  }
0x46c: {  	s29 =	rddreg [dreg:$0x14];
	_ =	swait.ge [sflag:s14], $0xC000  }
0x46d: {  	p0 =	sne.s32 s29, $0x1;
	[sflag:s14] =	ssyncset.done $0x0  }
.Ltmp0:
0x46e: {  	s31 =	rddreg [dreg:$0x13];
	[sflag:s14] =	ssyncadd.s32 $0xFFFF4000;
	(pc) =	sbr.rel @p0 .LBB2_1-.Ltmp0, $4  }
0x46f: {  	[hbm4b:s31+s3] =	stream.linear.scatter [tilespmem:s7], [sflag:$0x2], $0xC000, $0x38;
	[tilespmem:$0xC080] =	vst v63  }
0x470: {  	_ =	swait.ge [sflag:s6], $0xC000  }
0x471: {  	[sflag:s6] =	ssyncset.done $0x0  }
0x472: {  	s0 =	sadd.s32 $0xFFFFFFFF, s29;
	[sflag:s6] =	ssyncadd.s32 $0xFFFF4000  }
0x473: {  	_ =	sfence.sel $0x180000  }
0x474: {  	[bflag:$0x0] =	sbarrier.arrive $0xFFFF  }
0x475: {  	_ =	strace $0x9000004A  }
0x476: {  	s0 =	stileid.u32;
	[bflag:$0x2] =	sbarrier.arrive $0xFFFF  }
0x477: {  	p0 =	sne.s32 s0, $0x0;
	s0 =	rddreg [dreg:$0x3]  }
0x478: {  	s0 =	sadd.s32 @!p0 $0x100000, s0  }
0x479: {  	[sflag:s0] =	ssyncadd.tile.s32 @!p0 $0x1;
	_ =	shalt  }
.Lfunc_end2:
_tile_overlayer_lowered:
.L_overlay_start_2:
0x47a: {  	(tag) =	ssettag $0x2  }
0x47b: {  	s0 =	rddreg [dreg:$0x0];
	s2 =	stileid.u32  }
0x47c: {  	s1 =	rddreg [dreg:$0x1];
	p0 =	sne.s32 s2, $0x0  }
0x47d: {  	s3 =	rddreg [dreg:$0x2];
	[bflag:$0x3] =	sbarrier.arrive $0xFFFF;
	s2 =	simm.s32 @!p0 $0x1C02  }
0x47e: {  	[timem:s3], [sflag:s2] =	dma.local @!p0 [hbm:s0], s1  }
0x47f: {  	s0 =	simm.s32 @!p0 $0x2  }
0x480: {  	_ =	swait.ge @!p0 [sflag:s0], s1  }
0x481: {  	s1 =	ssub.s32 @!p0 $0x0, s1;
	[sflag:s0] =	ssyncset.done @!p0 $0x0  }
0x482: {  	[sflag:s0] =	ssyncadd.s32 @!p0 s1  }
0x483: {  	[bflag:$0x3] =	sbarrier.arrive $0xFFFF  }
0x484: {  	_ =	shalt  }

// kernel: sparse-core-data-format-call.cloned.1.call-start
scs
called_computation_lowered:
.L_overlay_start_0:
0x0: {  	s1 =	sld [smem:$0x3FD9]  }
0x1: {  	s2 =	sld [smem:$0x3FFE];
	_ =	sdelay $0x1  }
0x2: {  	s3 =	srdreg.scid  }
0x3: {  	s0 =	sand.u32 $0x1, s3  }
0x4: {  	s17 =	sshll.u32 s0, $0xA;
	s1 =	sadd.s32 s2, s1  }
0x5: {  	s1 =	sadd.s32 s1, s17  }
0x6: {  	[smem:$0x3FC7] =	sst s1  }
0x7: {  	_ = 	snop  }
0x8: {  	(tm) =	ssettm $0x1  }
0x9: {  	s18 =	sld [smem:$0x3FFB];
	_ =	sdelay $0x3  }
0xa: {  	_ =	strace s18  }
0xb: {  	s1 =	sld [smem:$0x3FFC];
	_ =	sdelay $0x3  }
0xc: {  	_ =	strace s1  }
0xd: {  	s1 =	sld [smem:$0x3FFD];
	_ =	sdelay $0x3  }
0xe: {  	_ =	strace s1  }
0xf: {  	_ =	strace $0x8FFFFFFF  }
0x10: {  	s19 =	sld [smem:$0x3FDB];
	_ =	sdelay $0x1  }
0x11: {  	s20 =	simm.s32 $_scs_section_size  }
0x12: {  	s4 =	simm.s32 $_size__tile_overlayer_lowered;
	s5 =	simm.s32 $_tile_overlayer_lowered  }
0x13: {  	s23 =	simm.s32 $0x1BFF;
	s22 =	sshll.u32 s5, $0x1;
	s1 =	sadd.s32 s20, s19  }
0x14: {  	s6 =	simm.s32 $0x0;
	s21 =	sshll.u32 s4, $0x1;
	s4 =	sadd.s32 s22, s1  }
0x15: {  	[timem:s6], [sflag:s23] =	dma.local [hbm:s4], s21  }
0x16: {  	_ =	swait.ge [sflag:s23], s21  }
0x17: {  	s2 =	ssub.s32 $0x0, s21;
	[sflag:s23] =	ssyncset.done $0x0  }
0x18: {  	[sflag:s23] =	ssyncadd.s32 s2;
	_ =	sdelay $0x1  }
0x19: {  	s24 =	simm.s32 $0x1B8B  }
0x1a: {  	_ =	swait.ge [sflag:s24], $0x1  }
0x1b: {  	[sflag:s24] =	ssyncset.done $0x0  }
0x1c: {  	s26 =	simm.s32 $0x1B8E;
	s25 =	sld [smem:$0x3FFE];
	[sflag:s24] =	ssyncadd.s32 $0xFFFFFFFF  }
0x1d: {  	s27 =	simm.s32 $execute0_lowered;
	[smem:$0x3FD2] =	sst s26  }
0x1e: {  	s4 =	sshll.u32 s27, $0x1;
	_ =	strace $0x80000046;
	[dreg:$0x1] =	wrdreg $0xFFFFFFFF  }
0x1f: {  	s28 =	simm.s32 $_size_execute0_lowered;
	s1 =	sadd.s32 s1, s4;
	[dreg:$0x0] =	wrdreg $0x0  }
0x20: {  	s4 =	sshll.u32 s28, $0x1;
	[dreg:$0x2] =	wrdreg s1  }
0x21: {  	[dreg:$0x3] =	wrdreg s4  }
0x22: {  	[dreg:$0x4] =	wrdreg $0xC0  }
0x23: {  	_ =	task [dreg:s6], $0x5FFFF  }
0x24: {  	[dreg:$0x1] =	wrdreg $0xFFFFFFFF  }
0x25: {  	[dreg:$0x0] =	wrdreg $0x60  }
0x26: {  	[dreg:$0x2] =	wrdreg s25  }
0x27: {  	[dreg:$0x3] =	wrdreg $0x9  }
0x28: {  	_ =	task.clear_ibuf [dreg:s6], $0x4FFFF;
	_ =	strace $0x90000046  }
0x29: {  	s29 =	simm.s32 $0x9;
	_ =	strace $0x80000048  }
0x2a: {  	_ =	swait.ge [sflag:s29], $0x1  }
0x2b: {  	[sflag:s29] =	ssyncadd.s32 $0xFFFFFFFF  }
0x2c: {  	_ =	strace $0x90000048  }
0x2d: {  	_ =	sfence  }
0x2e: {  	s30 =	sld [smem:$0x0];
	_ =	sdelay $0x2  }
0x2f: {  	s31 =	sshll.u32 s3, $0xD;
	s3 =	sshrl.u32 s3, $0x2  }
0x30: {  	s2 =	sand.u32 $0x4000, s31;
	s1 =	sadd.s32 s3, s30  }
0x31: {  	s0 =	sor.u32 s2, s0;
	s1 =	sshll.u32 s1, $0x11  }
0x32: {  	s0 =	sor.u32 s1, s0  }
0x33: {  	s0 =	sadd.s32 $0x8F2B, s0  }
0x34: {  	[sflag:s0] =	ssyncadd.remote.s32 $0x1  }
0x35: {  	_ =	sfence.sel $0xFFFF  }
0x36: {  	[dreg:$0x0] =	wrdreg $0xFFFFFFFF;
	(pc) =	sbr.abs _section_cstart, $3  }
0x37: {  	[dreg:$0x1] =	wrdreg $0xFFFFFFFF  }
0x38: {  	_ =	task.clear_ibuf [dreg:s6], $0x2FFFF;
	_ =	strace $0x9FFFFFFF  }
0x39: {  	(tm) =	ssettm $0x7FFFFFFF  }
tec
execute0_lowered:
.L_overlay_start_1:
0x0: {  	(tag) =	ssettag $0x1  }
0x1: {  	s1 =	rddreg [dreg:$0x0]  }
0x2: {  	s0 =	rddreg [dreg:$0x1];
	_ =	strace $0x80000047  }
0x3: {  	s4 =	srdreg.scid;
	s6 =	simm.s32 $0x2;
	s14 =	simm.s32 $0x0  }
0x4: {  	p0 =	por $0x0, $0x0;
	s12 =	simm.s32 $0x0;
	s13 =	simm.s32 $0x0  }
0x5: {  	s15 =	simm.s32 $0x0;
	s8 =	simm.s32 $0x0;
	s9 =	simm.s32 $0x0  }
.Ltmp0:
0x6: {  	s10 =	simm.s32 $0x0;
	s7 =	simm.s32 $0x0;
	(pc) =	sbr.rel .LBB1_1-.Ltmp0, $4  }
0x7: {  	s2 =	sadd.s32 $0x211E00, s1;
	s3 =	sadd.s32 $0x631E00, s1;
	s5 =	sshll.u32 s4, $0x4  }
0x8: {  	s1 =	stileid.u32;
	s4 =	simm.s32 $0x1;
	s5 =	sand.u32 $0x10, s5  }
0x9: {  	s22 =	simm.s32 $0x0;
	[sflag:s4] =	ssyncpa.u1 $0x0;
	s5 =	sor.u32 s1, s5  }
0xa: {  	[sflag:s6] =	ssyncpa.u1 $0x0;
	s6 =	simm.s32 $0x42000;
	s11 =	smov.u32 s5  }
.LBB1_7:
0xb: {  	s16 =	sadd.s32 $0x80, s8  }
0xc: {  	s12 =	sadd.s32 $0x40, s9;
	s17 =	smov.u32 s9;
	p2 =	sgt.s32 s16, $0x1000  }
0xd: {  	s17 =	smov.u32 @p2 s12  }
0xe: {  	s18 =	smov.u32 s10;
	s12 =	sadd.s32 $0x2, s10;
	p3 =	sgt.s32 s17, $0x3F  }
0xf: {  	s18 =	smov.u32 @p3 s12  }
0x10: {  	s19 =	smov.u32 s11;
	s12 =	sadd.s32 $0x20, s11;
	p4 =	sgt.s32 s18, $0x1  }
0x11: {  	p1 =	slt.u32 s7, $0x2;
	s19 =	smov.u32 @p4 s12  }
0x12: {  	s7 =	sadd.s32 $0x1, s7;
	s16 =	simm.s32 @p2 $0x0;
	p2 =	sgt.s32 s19, $0x3F  }
0x13: {  	s14 =	smov.u32 s8;
	s19 =	smov.u32 @p2 s5;
	p2 =	sne.s32 s7, $0x44  }
.Ltmp1:
0x14: {  	s13 =	smov.u32 s10;
	s20 =	simm.s32 @!p1 $0x2;
	(pc) =	sbr.rel @!p2 .LBB1_8-.Ltmp1, $4  }
0x15: {  	s15 =	smov.u32 s11;
	p0 =	por !p0, !p0;
	_ =	swait.ge @!p1 [sflag:s20], $0x4000  }
0x16: {  	[sflag:s20] =	ssyncset.done @!p1 $0x0;
	s8 =	smov.u32 s16;
	s17 =	simm.s32 @p3 $0x0  }
0x17: {  	[sflag:s20] =	ssyncadd.s32 @!p1 $0xFFFFC000;
	s18 =	simm.s32 @p4 $0x0;
	s12 =	smov.u32 s9  }
0x18: {  	s9 =	smov.u32 s17;
	s10 =	smov.u32 s18;
	s11 =	smov.u32 s19  }
.LBB1_1:
0x19: {  	p1 =	sgt.u32 s7, $0x41  }
0x1a: {  	s16 =	sshrl.u32 @!p1 s9, $0x3  }
0x1b: {  	s17 =	sshll.u32 @!p1 s8, $0x3;
	s16 =	smul.u32 @!p1 $0x8400, s16  }
0x1c: {  	s18 =	sshll.u32 @!p1 s9, $0x7;
	s17 =	sand.u32 @!p1 $0xFFFFFC00, s17  }
0x1d: {  	s16 =	sadd.s32 @!p1 s16, s17;
	s17 =	sand.u32 @!p1 $0x380, s18  }
0x1e: {  	s18 =	sand.u32 @!p1 $0x7F, s8;
	s16 =	sor.u32 @!p1 s17, s16  }
0x1f: {  	s17 =	sor.u32 @!p1 s18, s16  }
0x20: {  	s18 =	smulhi.u32 @!p1 $0x3E0F83E1, s17  }
0x21: {  	s16 =	smulhi.u32 @!p1 $0x3E0F83E1, s16  }
0x22: {  	s20 =	smul.u32 @!p1 $0x10800, s11;
	s18 =	sshrl.u32 @!p1 s18, $0xA  }
0x23: {  	s19 =	sxor.u32 @!p1 $0xFFFFFFFF, s7;
	s16 =	sshrl.u32 @!p1 s16, $0xA;
	s18 =	smul.u32 @!p1 $0x1080, s18  }
0x24: {  	s21 =	smul.u32 @!p1 $0x8400, s10;
	s19 =	sshll.u32 @!p1 s19, $0xE;
	s16 =	sand.u32 @!p1 $0x3F, s16  }
0x25: {  	s16 =	smul.u32 @!p1 $0x210, s16;
	s17 =	ssub.s32 @!p1 s17, s18;
	s18 =	sadd.s32 @!p1 s2, s20  }
0x26: {  	s19 =	sand.u32 @!p1 $0x4000, s19;
	s18 =	sadd.s32 @!p1 s21, s18;
	s20 =	sand.u32 @!p1 $0x7, s17  }
0x27: {  	s17 =	sshrl.u32 @!p1 s17, $0x3;
	s16 =	sadd.s32 @!p1 s16, s18;
	s18 =	sshll.u32 @!p1 s20, $0x12  }
0x28: {  	s16 =	sadd.s32 @!p1 s17, s16;
	s17 =	sor.u32 @!p1 $0x400, s18;
	s18 =	simm.s32 @!p1 $0x8400  }
0x29: {  	[tilespmem:s19], [sflag:$0x1] =	stream.strided.gather @!p1 [hbm4b:s16+s17], $0x4000, s18, s17, $0x38;
	[tilespmem:$0x10000] =	vst v63  }
0x2a: {  	p1 =	seq.s32 s7, $0x0  }
0x2b: {  	p2 =	seq.s32 @!p1 s7, $0x43  }
0x2c: {  	p1 =	por p1, p2  }
.Ltmp2:
0x2d: {  	_ = 	snop;
	(pc) =	sbr.rel @p1 .LBB1_7-.Ltmp2, $1  }
0x2e: {  	_ =	sdelay $0x3  }
0x2f: {  	s16 =	simm.s32 $0x1;
	_ =	swait.ge [sflag:s4], $0x4000  }
0x30: {  	s17 =	sshll.u32 s7, $0xE;
	s19 =	simm.s32 $0x0;
	s16 =	simm.s32 @!p0 $0x0  }
0x31: {  	p2 =	por $0x1, $0x1;
	[sflag:s4] =	ssyncset.done $0x0;
	s16 =	sshll.u32 s16, $0x10  }
0x32: {  	s17 =	sand.u32 $0x4000, s17;
	[sflag:s4] =	ssyncadd.s32 $0xFFFFC000;
	s18 =	sshrl.u32 s16, $0x2  }
0x33: {  	s16 =	sor.u32 $0x8000, s17;
	s17 =	sadd.s32 $0x8040, s18;
	s18 =	sadd.s32 $0x40, s18  }
.LBB1_3:
0x34: {  	s20 =	sshll.u32 s19, $0xD  }
0x35: {  	s20 =	sand.u32 $0x3FFFE000, s20  }
0x36: {  	s20 =	sadd.s32 s20, s18  }
0x37: {  	v0 =	vmov s20;
	_ =	sdelay $0x4  }
0x38: {  	v6 =	vld.idx.msk [tilespmem:v0+s22+$0x30 ss:$0x1], $0xffff  }
0x39: {  	v7 =	vld.idx.msk [tilespmem:v0+s22+$0xFFFFFFC0 ss:$0x1], $0xffff  }
0x3a: {  	v1 =	vld.idx.msk [tilespmem:v0+s22+$0xFFFFFFD0 ss:$0x1], $0xffff  }
0x3b: {  	s31 =	sshll.u32 s19, $0x7;
	v2 =	vld.idx.msk [tilespmem:v0+s22+$0xFFFFFFE0 ss:$0x1], $0xffff  }
0x3c: {  	s19 =	sand.u32 $0x3FFFFF80, s31;
	v3 =	vld.idx.msk [tilespmem:v0+s22+$0xFFFFFFF0 ss:$0x1], $0xffff  }
0x3d: {  	s19 =	sadd.s32 s19, s17;
	v4 =	vld.idx.msk [tilespmem:v0+s22+$0x0 ss:$0x1], $0xffff  }
0x3e: {  	v5 =	vld.idx.msk [tilespmem:v0+s22+$0x10 ss:$0x1], $0xffff;
	[tilespmem:s19+$0x30] =	vst v6  }
0x3f: {  	p1 =	por p2, p2;
	s21 =	simm.s32 $0x400;
	s20 =	simm.s32 $0x80;
	[tilespmem:s19+$0xFFFFFFC0] =	vst v7;
	v6 =	vld.idx.msk [tilespmem:v0+s22+$0x20 ss:$0x1], $0xffff  }
.LBB1_4:
0x40: {  	p2 =	sne.s32 s21, $0x7E00;
	v7 =	vld.idx.msk [tilespmem:v0+s20+$0x30 ss:$0x1], $0xffff;
	[tilespmem:s19+$0xFFFFFFD0] =	vst v1  }
0x41: {  	v8 =	vld.idx.msk [tilespmem:v0+s20+$0xFFFFFFC0 ss:$0x1], $0xffff;
	[tilespmem:s19+$0xFFFFFFE0] =	vst v2  }
0x42: {  	v1 =	vld.idx.msk [tilespmem:v0+s20+$0xFFFFFFD0 ss:$0x1], $0xffff;
	[tilespmem:s19+$0xFFFFFFF0] =	vst v3  }
.Ltmp3:
0x43: {  	v2 =	vld.idx.msk [tilespmem:v0+s20+$0xFFFFFFE0 ss:$0x1], $0xffff;
	[tilespmem:s19+$0x0] =	vst v4;
	(pc) =	sbr.rel @p2 .LBB1_4-.Ltmp3, $4  }
0x44: {  	v3 =	vld.idx.msk [tilespmem:v0+s20+$0xFFFFFFF0 ss:$0x1], $0xffff;
	[tilespmem:s19+$0x10] =	vst v5  }
0x45: {  	v4 =	vld.idx.msk [tilespmem:v0+s20+$0x0 ss:$0x1], $0xffff;
	[tilespmem:s19+$0x20] =	vst v6;
	s19 =	sadd.s32 $0x100, s19  }
0x46: {  	v5 =	vld.idx.msk [tilespmem:v0+s20+$0x10 ss:$0x1], $0xffff;
	[tilespmem:s19+$0x30] =	vst v7  }
0x47: {  	[tilespmem:s19+$0xFFFFFFC0] =	vst v8;
	v6 =	vld.idx.msk [tilespmem:v0+s20+$0x20 ss:$0x1], $0xffff;
	s20 =	sshra.s32 s21, $0x2;
	s21 =	sadd.s32 $0x200, s21  }
0x48: {  	_ =	sdelay $0x2  }
0x49: {  	[tilespmem:s19+$0xFFFFFFD0] =	vst v1  }
0x4a: {  	v56 =	vld.idx.msk [tilespmem:v0+s20+$0x30 ss:$0x1], $0xffff;
	[tilespmem:s19+$0xFFFFFFE0] =	vst v2  }
0x4b: {  	v57 =	vld.idx.msk [tilespmem:v0+s20+$0xFFFFFFC0 ss:$0x1], $0xffff;
	[tilespmem:s19+$0xFFFFFFF0] =	vst v3  }
0x4c: {  	v58 =	vld.idx.msk [tilespmem:v0+s20+$0xFFFFFFD0 ss:$0x1], $0xffff;
	[tilespmem:s19+$0x0] =	vst v4  }
0x4d: {  	v59 =	vld.idx.msk [tilespmem:v0+s20+$0xFFFFFFE0 ss:$0x1], $0xffff;
	[tilespmem:s19+$0x10] =	vst v5  }
0x4e: {  	v60 =	vld.idx.msk [tilespmem:v0+s20+$0xFFFFFFF0 ss:$0x1], $0xffff;
	s31 =	sadd.s32 $0x100, s19;
	[tilespmem:s19+$0x20] =	vst v6  }
0x4f: {  	v61 =	vld.idx.msk [tilespmem:v0+s20+$0x0 ss:$0x1], $0xffff;
	[tilespmem:s31+$0x30] =	vst v56  }
0x50: {  	v62 =	vld.idx.msk [tilespmem:v0+s20+$0x10 ss:$0x1], $0xffff;
	[tilespmem:s31+$0xFFFFFFC0] =	vst v57  }
0x51: {  	v63 =	vld.idx.msk [tilespmem:v0+s20+$0x20 ss:$0x1], $0xffff;
	[tilespmem:s31+$0xFFFFFFD0] =	vst v58  }
.Ltmp4:
0x52: {  	[tilespmem:s31+$0xFFFFFFE0] =	vst v59;
	(pc) =	sbr.rel @p1 .LBB1_3-.Ltmp4, $4  }
0x53: {  	[tilespmem:s31+$0xFFFFFFF0] =	vst v60  }
0x54: {  	[tilespmem:s31+$0x0] =	vst v61  }
0x55: {  	[tilespmem:s31+$0x10] =	vst v62  }
0x56: {  	p2 =	por $0x0, $0x0;
	s19 =	simm.s32 $0x1;
	[tilespmem:s31+$0x20] =	vst v63  }
0x57: {  	s17 =	sshrl.u32 s15, $0x3  }
0x58: {  	s18 =	sshll.u32 s14, $0x3;
	s17 =	smul.u32 $0x8400, s17  }
0x59: {  	s28 =	sshll.u32 s15, $0x7;
	s18 =	sand.u32 $0xFFFFFC00, s18  }
0x5a: {  	s15 =	sand.u32 $0x380, s28;
	s17 =	sadd.s32 s17, s18  }
0x5b: {  	s29 =	sand.u32 $0x7F, s14;
	s15 =	sor.u32 s15, s17  }
0x5c: {  	s14 =	sor.u32 s29, s15;
	s15 =	smulhi.u32 $0x3E0F83E1, s15  }
0x5d: {  	s30 =	smulhi.u32 $0x3E0F83E1, s14  }
0x5e: {  	s13 =	smul.u32 $0x8400, s13  }
0x5f: {  	s12 =	smul.u32 $0x10800, s12;
	s15 =	sshrl.u32 s15, $0xA;
	s17 =	sshrl.u32 s30, $0xA  }
0x60: {  	s15 =	sand.u32 $0x3F, s15;
	s17 =	smul.u32 $0x1080, s17  }
0x61: {  	s15 =	smul.u32 $0x210, s15  }
.Ltmp5:
0x62: {  	s13 =	sadd.s32 s3, s13;
	s14 =	ssub.s32 s14, s17;
	(pc) =	sbr.rel .LBB1_7-.Ltmp5, $4  }
0x63: {  	s12 =	sadd.s32 s12, s13;
	s31 =	sand.u32 $0x7, s14  }
0x64: {  	s12 =	sadd.s32 s15, s12;
	s14 =	sshrl.u32 s14, $0x3;
	s13 =	sshll.u32 s31, $0x12  }
0x65: {  	s12 =	sadd.s32 s14, s12;
	s13 =	sor.u32 $0x80, s13  }
0x66: {  	[hbm4b:s12+s13] =	stream.strided.scatter [tilespmem:s16], [sflag:$0x2], $0x4000, s6, s13, $0x38;
	[tilespmem:$0x10000] =	vst v63  }
.LBB1_8:
0x67: {  	_ =	sfence.sel $0x180000  }
0x68: {  	s2 =	simm.s32 $0x1;
	[bflag:$0x0] =	sbarrier.arrive $0xFFFF  }
0x69: {  	s31 =	simm.s32 $0x2;
	[sflag:s2] =	ssyncpa.u1 $0x1  }
0x6a: {  	[sflag:s31] =	ssyncpa.u1 $0x1  }
0x6b: {  	p0 =	sne.s32 s1, $0x0;
	_ =	strace $0x90000047  }
0x6c: {  	s0 =	sadd.s32 @!p0 $0x100000, s0;
	[bflag:$0x2] =	sbarrier.arrive $0xFFFF  }
0x6d: {  	[sflag:s0] =	ssyncadd.tile.s32 @!p0 $0x1;
	_ =	shalt  }
.Lfunc_end1:
_tile_overlayer_lowered:
.L_overlay_start_2:
0x6e: {  	(tag) =	ssettag $0x2  }
0x6f: {  	s0 =	rddreg [dreg:$0x0];
	s2 =	stileid.u32  }
0x70: {  	s1 =	rddreg [dreg:$0x1];
	p0 =	sne.s32 s2, $0x0  }
0x71: {  	s3 =	rddreg [dreg:$0x2];
	[bflag:$0x3] =	sbarrier.arrive $0xFFFF;
	s2 =	simm.s32 @!p0 $0x1C01  }
0x72: {  	[timem:s3], [sflag:s2] =	dma.local @!p0 [hbm:s0], s1  }
0x73: {  	s0 =	simm.s32 @!p0 $0x1  }
0x74: {  	_ =	swait.ge @!p0 [sflag:s0], s1  }
0x75: {  	s1 =	ssub.s32 @!p0 $0x0, s1;
	[sflag:s0] =	ssyncset.done @!p0 $0x0  }
0x76: {  	[sflag:s0] =	ssyncadd.s32 @!p0 s1  }
0x77: {  	[bflag:$0x3] =	sbarrier.arrive $0xFFFF  }
0x78: {  	_ =	shalt  }

</sc_bundles>
